<compile_context>
chip_gen: v7x
topology: tpu7x:2x2x1
jax: 0.10.2.dev20260603
libtpu: 0.0.44.dev20260713+nightly
codegen_flags: <defaults>
</compile_context>

<pallas_src>
import functools

import jax
import jax.numpy as jnp
from jax import lax
from jax.experimental import pallas as pl
from jax.experimental.pallas import tpu as pltpu
from jax.experimental.pallas import tpu_sc as plsc

E = 64
D = 768
I = 2048
T = 2048
CHUNK = 64
TS = T + CHUNK
RB = 128
N_TILES = 32
RPT = T // N_TILES


def _sigmoid(x):
    return 1.0 / (1.0 + jnp.exp(-x))



def _router_body(x_ref, w_ref, pos_ref, starts_ref, counts_ref, aux_ref):
    x = x_ref[...]
    logits = lax.dot_general(x, w_ref[...], (((1,), (1,)), ((), ())),
                             preferred_element_type=jnp.float32)
    m = jnp.max(logits, axis=1, keepdims=True)
    iota_e = lax.broadcasted_iota(jnp.int32, (T, E), 1)
    sel = jnp.min(jnp.where(logits == m, iota_e, jnp.int32(E)), axis=1,
                  keepdims=True)
    one_hot = (iota_e == sel).astype(jnp.float32)

    ex = jnp.exp(logits - m)
    probs = ex / jnp.sum(ex, axis=1, keepdims=True)
    p_mean = jnp.sum(probs, axis=0, keepdims=True) / T
    counts = jnp.sum(one_hot, axis=0, keepdims=True)
    aux_ref[...] = E * jnp.sum((counts / T) * p_mean, keepdims=True)

    ii = lax.broadcasted_iota(jnp.int32, (E, E), 0)
    jj = lax.broadcasted_iota(jnp.int32, (E, E), 1)
    starts = jnp.dot(counts, (ii < jj).astype(jnp.float32),
                     preferred_element_type=jnp.float32)
    starts_ref[...] = starts.astype(jnp.int32)
    counts_ref[...] = counts.astype(jnp.int32)

    ir = lax.broadcasted_iota(jnp.int32, (RB, RB), 0)
    jc = lax.broadcasted_iota(jnp.int32, (RB, RB), 1)
    ltri = (jc < ir).astype(jnp.float32)
    carry = jnp.zeros((1, E), jnp.float32)
    for b in range(T // RB):
        oh = one_hot[b * RB:(b + 1) * RB]
        pre = jnp.dot(ltri, oh, preferred_element_type=jnp.float32) + carry
        rank = jnp.sum(pre * oh, axis=1, keepdims=True)
        base = jnp.sum(starts * oh, axis=1, keepdims=True)
        pos_ref[b * RB:(b + 1) * RB, :] = (base + rank).astype(jnp.int32)
        carry = carry + jnp.sum(oh, axis=0, keepdims=True)


def _router_call(x2d, router_W):
    return pl.pallas_call(
        _router_body,
        out_shape=[
            jax.ShapeDtypeStruct((T, 1), jnp.int32),
            jax.ShapeDtypeStruct((1, E), jnp.int32),
            jax.ShapeDtypeStruct((1, E), jnp.int32),
            jax.ShapeDtypeStruct((1, 1), jnp.float32),
        ],
    )(x2d, router_W)



HPT = RPT // 2


@functools.cache
def _sc_kernels():
    mesh = plsc.VectorSubcoreMesh(core_axis_name="c", subcore_axis_name="s")
    scratch = [
        pltpu.VMEM((HPT,), jnp.int32),
        pltpu.VMEM((HPT,), jnp.int32),
        pltpu.VMEM((RPT, D), jnp.float32),
        pltpu.SemaphoreType.DMA,
        pltpu.SemaphoreType.DMA,
    ]

    @functools.partial(
        pl.kernel, mesh=mesh, scratch_types=scratch,
        out_type=jax.ShapeDtypeStruct((TS, D), jnp.float32),
    )
    def sc_scatter(x_hbm, pos_hbm, out_hbm, pos_a, pos_b, rows_v, s1, s2):
        wid = lax.axis_index("s") * 2 + lax.axis_index("c")
        base = wid * RPT
        ca = pltpu.async_copy(x_hbm.at[pl.ds(base, HPT)],
                              rows_v.at[pl.ds(0, HPT)], s1)
        cb = pltpu.async_copy(x_hbm.at[pl.ds(base + HPT, HPT)],
                              rows_v.at[pl.ds(HPT, HPT)], s2)
        pltpu.sync_copy(pos_hbm.at[pl.ds(base, HPT)], pos_a)
        pltpu.sync_copy(pos_hbm.at[pl.ds(base + HPT, HPT)], pos_b)
        ca.wait()
        wa = pltpu.async_copy(rows_v.at[pl.ds(0, HPT)], out_hbm.at[pos_a], s1)
        cb.wait()
        wb = pltpu.async_copy(rows_v.at[pl.ds(HPT, HPT)], out_hbm.at[pos_b],
                              s2)
        wa.wait()
        wb.wait()

    @functools.partial(
        pl.kernel, mesh=mesh, scratch_types=scratch,
        out_type=jax.ShapeDtypeStruct((T, D), jnp.float32),
    )
    def sc_gather(y_hbm, pos_hbm, out_hbm, pos_a, pos_b, rows_v, s1, s2):
        wid = lax.axis_index("s") * 2 + lax.axis_index("c")
        base = wid * RPT
        pltpu.sync_copy(pos_hbm.at[pl.ds(base, HPT)], pos_a)
        ga = pltpu.async_copy(y_hbm.at[pos_a], rows_v.at[pl.ds(0, HPT)], s1)
        pltpu.sync_copy(pos_hbm.at[pl.ds(base + HPT, HPT)], pos_b)
        gb = pltpu.async_copy(y_hbm.at[pos_b], rows_v.at[pl.ds(HPT, HPT)], s2)
        ga.wait()
        wa = pltpu.async_copy(rows_v.at[pl.ds(0, HPT)],
                              out_hbm.at[pl.ds(base, HPT)], s1)
        gb.wait()
        wb = pltpu.async_copy(rows_v.at[pl.ds(HPT, HPT)],
                              out_hbm.at[pl.ds(base + HPT, HPT)], s2)
        wa.wait()
        wb.wait()

    return sc_scatter, sc_gather



def _mlp(xa, gw, uw, dw):
    g = lax.dot_general(xa, gw, (((1,), (1,)), ((), ())),
                        preferred_element_type=jnp.float32)
    u = lax.dot_general(xa, uw, (((1,), (1,)), ((), ())),
                        preferred_element_type=jnp.float32)
    h = g * _sigmoid(g) * u
    return lax.dot_general(h, dw, (((1,), (1,)), ((), ())),
                           preferred_element_type=jnp.float32)


SH_I = I // 8
SH_Q = 512


def _ffn_body(starts_ref, counts_ref, x_ref, g_ref, u_ref, d_ref,
              sg_ref, su_ref, sd_ref, y_ref):
    i = pl.program_id(0)

    @pl.when(i == 0)
    def _():
        y_ref[...] = jnp.zeros_like(y_ref)

    @pl.when(i % 8 == 4)
    def _():
        for q in range(T // SH_Q):
            sl = pl.ds(q * SH_Q, SH_Q)
            xa = x_ref[sl, :]
            g = lax.dot_general(xa, sg_ref[...], (((1,), (1,)), ((), ())),
                                preferred_element_type=jnp.float32)
            u = lax.dot_general(xa, su_ref[...], (((1,), (1,)), ((), ())),
                                preferred_element_type=jnp.float32)
            h = g * _sigmoid(g) * u
            yc = lax.dot_general(h, sd_ref[...], (((1,), (1,)), ((), ())),
                                 preferred_element_type=jnp.float32)
            y_ref[sl, :] = y_ref[sl, :] + yc

    s = starts_ref[i]
    n = counts_ref[i]
    end = s + n
    s8 = (s // 8) * 8
    nch = lax.select(n > 0, (end - s8 + CHUNK - 1) // CHUNK, 0)

    def chunk(c, _):
        r0 = pl.multiple_of(s8 + c * CHUNK, 8)
        xa = x_ref[pl.ds(r0, CHUNK), :]
        rows = r0 + lax.broadcasted_iota(jnp.int32, (CHUNK, 1), 0)
        xa = jnp.where((rows >= s) & (rows < end), xa, 0.0)
        yc = _mlp(xa, g_ref[0], u_ref[0], d_ref[0])
        y_ref[pl.ds(r0, CHUNK), :] = y_ref[pl.ds(r0, CHUNK), :] + yc
        return 0

    lax.fori_loop(0, nch, chunk, 0)


def _ffn_call(starts, counts, x_sorted, gate_w, up_w, down_w, sh_gate, sh_up,
              sh_down):
    grid_spec = pltpu.PrefetchScalarGridSpec(
        num_scalar_prefetch=2,
        grid=(E,),
        in_specs=[
            pl.BlockSpec((TS, D), lambda i, *_: (0, 0)),
            pl.BlockSpec((1, I, D), lambda i, *_: (i, 0, 0)),
            pl.BlockSpec((1, I, D), lambda i, *_: (i, 0, 0)),
            pl.BlockSpec((1, D, I), lambda i, *_: (i, 0, 0)),
            pl.BlockSpec((SH_I, D), lambda i, *_: (i // 8, 0)),
            pl.BlockSpec((SH_I, D), lambda i, *_: (i // 8, 0)),
            pl.BlockSpec((D, SH_I), lambda i, *_: (0, i // 8)),
        ],
        out_specs=pl.BlockSpec((TS, D), lambda i, *_: (0, 0)),
    )
    return pl.pallas_call(
        _ffn_body,
        grid_spec=grid_spec,
        out_shape=jax.ShapeDtypeStruct((TS, D), jnp.float32),
        compiler_params=pltpu.CompilerParams(
            dimension_semantics=("arbitrary",),
            vmem_limit_bytes=64 * 1024 * 1024,
        ),
    )(starts, counts, x_sorted, gate_w, up_w, down_w, sh_gate, sh_up, sh_down)



def kernel(hidden_states, router_W, gate_w, up_w, down_w, sh_gate, sh_up,
           sh_down):
    b, s, d = hidden_states.shape
    x2d = hidden_states.reshape(b * s, d)
    pos2d, starts2, counts2, aux2 = _router_call(x2d, router_W)
    pos = pos2d.reshape(b * s)
    starts = starts2.reshape(E)
    counts = counts2.reshape(E)
    sc_scatter, sc_gather = _sc_kernels()
    x_sorted = sc_scatter(x2d, pos)
    y_sorted = _ffn_call(starts, counts, x_sorted, gate_w, up_w, down_w,
                         sh_gate, sh_up, sh_down)
    out = sc_gather(y_sorted, pos)
    return out.reshape(b, s, d), aux2.reshape(())

# --- scband reference (transcript-rebuilt; emitter-appended) ---
"""Pipeline reference for scband-mixture-of-experts-17875653886564 (READ-ONLY COPY).

The authoritative reference and input builder live on the scoring server;
editing this copy changes nothing except your own understanding.
"""

import jax, jax.numpy as jnp
import numpy as np

E = 64
K = 1
D = 768
I = 2048
B = 1
S = 2048

def silu(x):
    return x * jax.nn.sigmoid(x)

def setup_inputs(seed: int = 0):
    key = jax.random.key(seed)
    ks = jax.random.split(key, 8)
    hidden_states = jax.random.normal(ks[0], (B, S, D), dtype=jnp.float32)
    router_W = jax.random.normal(ks[1], (E, D), dtype=jnp.float32) * 0.02
    gate_w = jax.random.normal(ks[2], (E, I, D), dtype=jnp.float32) * 0.02
    up_w = jax.random.normal(ks[3], (E, I, D), dtype=jnp.float32) * 0.02
    down_w = jax.random.normal(ks[4], (E, D, I), dtype=jnp.float32) * 0.02
    sh_gate = jax.random.normal(ks[5], (I, D), dtype=jnp.float32) * 0.02
    sh_up = jax.random.normal(ks[6], (I, D), dtype=jnp.float32) * 0.02
    sh_down = jax.random.normal(ks[7], (D, I), dtype=jnp.float32) * 0.02
    return {"hidden_states": hidden_states, "router_W": router_W, "gate_w": gate_w, "up_w": up_w, "down_w": down_w, "sh_gate": sh_gate, "sh_up": sh_up, "sh_down": sh_down}

def reference(hidden_states, router_W, gate_w, up_w, down_w, sh_gate, sh_up, sh_down):
    Bx, Sx, Dx = hidden_states.shape
    x = hidden_states.reshape(-1, Dx)
    T = x.shape[0]
    # shared expert (num_shared_experts = 1)
    shared = (silu(x @ sh_gate.T) * (x @ sh_up.T)) @ sh_down.T
    # router
    logits = x @ router_W.T
    vals, sel = jax.lax.top_k(logits, K)
    rw = jax.nn.softmax(vals, axis=-1)
    # aux load-balancing loss
    one_hot = jax.nn.one_hot(sel, E, dtype=jnp.float32)
    tokens_per_expert = one_hot.sum(axis=(0, 1))
    f = tokens_per_expert / (T * K)
    P = jax.nn.softmax(logits, axis=-1).mean(axis=0)
    aux_loss = E * jnp.sum(f * P)
    # route tokens (fixed-shape masked accumulation over the static expert count)
    num_experts = router_W.shape[0]

    def body(e, out):
        mask_w = jnp.sum(jnp.where(sel == e, rw, jnp.float32(0.0)), axis=-1)
        xe = x
        ye = (silu(xe @ gate_w[e].T) * (xe @ up_w[e].T)) @ down_w[e].T
        return out + ye * mask_w[:, None]

    out = jax.lax.fori_loop(0, num_experts, body, jnp.zeros_like(x))
    # dropout p=0.0 -> identity
    final = (shared + out).reshape(Bx, Sx, Dx)
    return final, aux_loss

if __name__ == "__main__":
    import jax
    _d = setup_inputs()
    print(jax.jit(kernel)(*tuple(_d.values())))

</pallas_src>

<mosaic_0001>
#map = affine_map<(d0, d1) -> (0, 0)>
#map1 = affine_map<(d0, d1) -> (0)>
module attributes {stable_mosaic.version = 14 : i64} {
  func.func @sc_scatter(%arg0: i32, %arg1: i32, %arg2: memref<2048x768xf32, #tpu.memory_space<hbm>>, %arg3: memref<2048xi32, #tpu.memory_space<hbm>>, %arg4: memref<2112x768xf32, #tpu.memory_space<hbm>>, %arg5: memref<32xi32, #tpu.memory_space<vmem>>, %arg6: memref<32xi32, #tpu.memory_space<vmem>>, %arg7: memref<64x768xf32, #tpu.memory_space<vmem>>, %arg8: memref<!tpu.dma_semaphore, #tpu.memory_space<semaphore_mem>>, %arg9: memref<!tpu.dma_semaphore, #tpu.memory_space<semaphore_mem>>) attributes {dimension_semantics = [#tpu.dimension_semantics<core_parallel>, #tpu.dimension_semantics<subcore_parallel>], iteration_bounds = array<i64: 2, 16>, scalar_prefetch = 0 : i64, scratch_operands = 5 : i64, tpu.core_type = #tpu.core_type<sc_vector_subcore>, window_params = [{transform_indices = #map}, {transform_indices = #map1}, {transform_indices = #map}]} {
    %mul3A = arith.constant 2 : i32
    %mul3A_0 = arith.muli %arg1, %mul3A : i32
    %add3A = arith.addi %mul3A_0, %arg0 : i32
    %mul3A_1 = arith.constant 64 : i32
    %mul3A_2 = arith.muli %add3A, %mul3A_1 : i32
    %dma_start3A = arith.constant 0 : i32
    %dma_start3A_3 = arith.constant 0 : i32
    %dma_start3A_4 = tpu.memref_slice %arg7[%dma_start3A, %dma_start3A_3] : memref<64x768xf32, #tpu.memory_space<vmem>> -> memref<32x768xf32, #tpu.memory_space<vmem>>
    %dma_start3A_5 = arith.constant 0 : i32
    %dma_start3A_6 = tpu.memref_slice %arg2[%mul3A_2, %dma_start3A_5] : memref<2048x768xf32, #tpu.memory_space<hbm>> -> memref<32x768xf32, #tpu.memory_space<hbm>>
    %dma_start3A_7 = arith.constant 0 : i32
    %dma_start3A_8 = arith.constant 0 : i32
    %dma_start3A_9 = tpu.memref_slice %arg7[%dma_start3A_7, %dma_start3A_8] : memref<64x768xf32, #tpu.memory_space<vmem>> -> memref<32x768xf32, #tpu.memory_space<vmem>>
    %dma_start3A_10 = arith.constant 0 : i32
    %dma_start3A_11 = tpu.memref_slice %arg2[%mul3A_2, %dma_start3A_10] : memref<2048x768xf32, #tpu.memory_space<hbm>> -> memref<32x768xf32, #tpu.memory_space<hbm>>
    tpu.enqueue_dma source(%dma_start3A_11 : memref<32x768xf32, #tpu.memory_space<hbm>>) target(%dma_start3A_9 : memref<32x768xf32, #tpu.memory_space<vmem>>) target_semaphore(%arg8 : memref<!tpu.dma_semaphore, #tpu.memory_space<semaphore_mem>>)
    %add3A_12 = arith.constant 32 : i32
    %add3A_13 = arith.addi %mul3A_2, %add3A_12 : i32
    %dma_start3A_14 = arith.constant 32 : i32
    %dma_start3A_15 = arith.constant 0 : i32
    %dma_start3A_16 = tpu.memref_slice %arg7[%dma_start3A_14, %dma_start3A_15] : memref<64x768xf32, #tpu.memory_space<vmem>> -> memref<32x768xf32, #tpu.memory_space<vmem>>
    %dma_start3A_17 = arith.constant 0 : i32
    %dma_start3A_18 = tpu.memref_slice %arg2[%add3A_13, %dma_start3A_17] : memref<2048x768xf32, #tpu.memory_space<hbm>> -> memref<32x768xf32, #tpu.memory_space<hbm>>
    %dma_start3A_19 = arith.constant 32 : i32
    %dma_start3A_20 = arith.constant 0 : i32
    %dma_start3A_21 = tpu.memref_slice %arg7[%dma_start3A_19, %dma_start3A_20] : memref<64x768xf32, #tpu.memory_space<vmem>> -> memref<32x768xf32, #tpu.memory_space<vmem>>
    %dma_start3A_22 = arith.constant 0 : i32
    %dma_start3A_23 = tpu.memref_slice %arg2[%add3A_13, %dma_start3A_22] : memref<2048x768xf32, #tpu.memory_space<hbm>> -> memref<32x768xf32, #tpu.memory_space<hbm>>
    tpu.enqueue_dma source(%dma_start3A_23 : memref<32x768xf32, #tpu.memory_space<hbm>>) target(%dma_start3A_21 : memref<32x768xf32, #tpu.memory_space<vmem>>) target_semaphore(%arg9 : memref<!tpu.dma_semaphore, #tpu.memory_space<semaphore_mem>>)
    "tpu.region"() ({
      %run_scoped3A = tpu.sem_alloc : memref<!tpu.dma_semaphore, #tpu.memory_space<semaphore_mem>>
      %dma_start3A_69 = tpu.memref_slice %arg3[%mul3A_2] : memref<2048xi32, #tpu.memory_space<hbm>> -> memref<32xi32, #tpu.memory_space<hbm>>
      %dma_start3A_70 = tpu.memref_slice %arg3[%mul3A_2] : memref<2048xi32, #tpu.memory_space<hbm>> -> memref<32xi32, #tpu.memory_space<hbm>>
      tpu.enqueue_dma source(%dma_start3A_70 : memref<32xi32, #tpu.memory_space<hbm>>) target(%arg5 : memref<32xi32, #tpu.memory_space<vmem>>) target_semaphore(%run_scoped3A : memref<!tpu.dma_semaphore, #tpu.memory_space<semaphore_mem>>)
      %dma_wait3A_71 = tpu.memref_slice %arg3[%mul3A_2] : memref<2048xi32, #tpu.memory_space<hbm>> -> memref<32xi32, #tpu.memory_space<hbm>>
      %dma_wait3A_72 = tpu.memref_slice %arg3[%mul3A_2] : memref<2048xi32, #tpu.memory_space<hbm>> -> memref<32xi32, #tpu.memory_space<hbm>>
      tpu.wait_dma2 semaphore(%run_scoped3A : memref<!tpu.dma_semaphore, #tpu.memory_space<semaphore_mem>>) src(%dma_wait3A_72 : memref<32xi32, #tpu.memory_space<hbm>>) dst(%arg5 : memref<32xi32, #tpu.memory_space<vmem>>)
      tpu.yield
    }) : () -> ()
    %add3A_24 = arith.constant 32 : i32
    %add3A_25 = arith.addi %mul3A_2, %add3A_24 : i32
    "tpu.region"() ({
      %run_scoped3A = tpu.sem_alloc : memref<!tpu.dma_semaphore, #tpu.memory_space<semaphore_mem>>
      %dma_start3A_69 = tpu.memref_slice %arg3[%add3A_25] : memref<2048xi32, #tpu.memory_space<hbm>> -> memref<32xi32, #tpu.memory_space<hbm>>
      %dma_start3A_70 = tpu.memref_slice %arg3[%add3A_25] : memref<2048xi32, #tpu.memory_space<hbm>> -> memref<32xi32, #tpu.memory_space<hbm>>
      tpu.enqueue_dma source(%dma_start3A_70 : memref<32xi32, #tpu.memory_space<hbm>>) target(%arg6 : memref<32xi32, #tpu.memory_space<vmem>>) target_semaphore(%run_scoped3A : memref<!tpu.dma_semaphore, #tpu.memory_space<semaphore_mem>>)
      %dma_wait3A_71 = tpu.memref_slice %arg3[%add3A_25] : memref<2048xi32, #tpu.memory_space<hbm>> -> memref<32xi32, #tpu.memory_space<hbm>>
      %dma_wait3A_72 = tpu.memref_slice %arg3[%add3A_25] : memref<2048xi32, #tpu.memory_space<hbm>> -> memref<32xi32, #tpu.memory_space<hbm>>
      tpu.wait_dma2 semaphore(%run_scoped3A : memref<!tpu.dma_semaphore, #tpu.memory_space<semaphore_mem>>) src(%dma_wait3A_72 : memref<32xi32, #tpu.memory_space<hbm>>) dst(%arg6 : memref<32xi32, #tpu.memory_space<vmem>>)
      tpu.yield
    }) : () -> ()
    %dma_wait3A = arith.constant 0 : i32
    %dma_wait3A_26 = arith.constant 0 : i32
    %dma_wait3A_27 = tpu.memref_slice %arg7[%dma_wait3A, %dma_wait3A_26] : memref<64x768xf32, #tpu.memory_space<vmem>> -> memref<32x768xf32, #tpu.memory_space<vmem>>
    %dma_wait3A_28 = arith.constant 0 : i32
    %dma_wait3A_29 = tpu.memref_slice %arg2[%mul3A_2, %dma_wait3A_28] : memref<2048x768xf32, #tpu.memory_space<hbm>> -> memref<32x768xf32, #tpu.memory_space<hbm>>
    %dma_wait3A_30 = arith.constant 0 : i32
    %dma_wait3A_31 = arith.constant 0 : i32
    %dma_wait3A_32 = tpu.memref_slice %arg7[%dma_wait3A_30, %dma_wait3A_31] : memref<64x768xf32, #tpu.memory_space<vmem>> -> memref<32x768xf32, #tpu.memory_space<vmem>>
    %dma_wait3A_33 = arith.constant 0 : i32
    %dma_wait3A_34 = tpu.memref_slice %arg2[%mul3A_2, %dma_wait3A_33] : memref<2048x768xf32, #tpu.memory_space<hbm>> -> memref<32x768xf32, #tpu.memory_space<hbm>>
    tpu.wait_dma2 semaphore(%arg8 : memref<!tpu.dma_semaphore, #tpu.memory_space<semaphore_mem>>) src(%dma_wait3A_34 : memref<32x768xf32, #tpu.memory_space<hbm>>) dst(%dma_wait3A_32 : memref<32x768xf32, #tpu.memory_space<vmem>>)
    %dma_start3A_35 = arith.constant 0 : i32
    %dma_start3A_36 = arith.constant 0 : i32
    %dma_start3A_37 = tpu.memref_slice %arg7[%dma_start3A_35, %dma_start3A_36] : memref<64x768xf32, #tpu.memory_space<vmem>> -> memref<32x768xf32, #tpu.memory_space<vmem>>
    %dma_start3A_38 = arith.constant 0 : i32
    %dma_start3A_39 = arith.constant 0 : i32
    %dma_start3A_40 = tpu.memref_slice %arg4[%dma_start3A_38, %dma_start3A_39] : memref<2112x768xf32, #tpu.memory_space<hbm>> -> memref<2112x768xf32, #tpu.memory_space<hbm>>
    tpu.enqueue_indirect_dma source(%dma_start3A_37 : memref<32x768xf32, #tpu.memory_space<vmem>>) target(%dma_start3A_40 : memref<2112x768xf32, #tpu.memory_space<hbm>>) offsets(%arg5 : memref<32xi32, #tpu.memory_space<vmem>>) semaphore(%arg8 : memref<!tpu.dma_semaphore, #tpu.memory_space<semaphore_mem>>)
    %dma_wait3A_41 = arith.constant 32 : i32
    %dma_wait3A_42 = arith.constant 0 : i32
    %dma_wait3A_43 = tpu.memref_slice %arg7[%dma_wait3A_41, %dma_wait3A_42] : memref<64x768xf32, #tpu.memory_space<vmem>> -> memref<32x768xf32, #tpu.memory_space<vmem>>
    %dma_wait3A_44 = arith.constant 0 : i32
    %dma_wait3A_45 = tpu.memref_slice %arg2[%add3A_13, %dma_wait3A_44] : memref<2048x768xf32, #tpu.memory_space<hbm>> -> memref<32x768xf32, #tpu.memory_space<hbm>>
    %dma_wait3A_46 = arith.constant 32 : i32
    %dma_wait3A_47 = arith.constant 0 : i32
    %dma_wait3A_48 = tpu.memref_slice %arg7[%dma_wait3A_46, %dma_wait3A_47] : memref<64x768xf32, #tpu.memory_space<vmem>> -> memref<32x768xf32, #tpu.memory_space<vmem>>
    %dma_wait3A_49 = arith.constant 0 : i32
    %dma_wait3A_50 = tpu.memref_slice %arg2[%add3A_13, %dma_wait3A_49] : memref<2048x768xf32, #tpu.memory_space<hbm>> -> memref<32x768xf32, #tpu.memory_space<hbm>>
    tpu.wait_dma2 semaphore(%arg9 : memref<!tpu.dma_semaphore, #tpu.memory_space<semaphore_mem>>) src(%dma_wait3A_50 : memref<32x768xf32, #tpu.memory_space<hbm>>) dst(%dma_wait3A_48 : memref<32x768xf32, #tpu.memory_space<vmem>>)
    %dma_start3A_51 = arith.constant 32 : i32
    %dma_start3A_52 = arith.constant 0 : i32
    %dma_start3A_53 = tpu.memref_slice %arg7[%dma_start3A_51, %dma_start3A_52] : memref<64x768xf32, #tpu.memory_space<vmem>> -> memref<32x768xf32, #tpu.memory_space<vmem>>
    %dma_start3A_54 = arith.constant 0 : i32
    %dma_start3A_55 = arith.constant 0 : i32
    %dma_start3A_56 = tpu.memref_slice %arg4[%dma_start3A_54, %dma_start3A_55] : memref<2112x768xf32, #tpu.memory_space<hbm>> -> memref<2112x768xf32, #tpu.memory_space<hbm>>
    tpu.enqueue_indirect_dma source(%dma_start3A_53 : memref<32x768xf32, #tpu.memory_space<vmem>>) target(%dma_start3A_56 : memref<2112x768xf32, #tpu.memory_space<hbm>>) offsets(%arg6 : memref<32xi32, #tpu.memory_space<vmem>>) semaphore(%arg9 : memref<!tpu.dma_semaphore, #tpu.memory_space<semaphore_mem>>)
    %dma_wait3A_57 = arith.constant 0 : i32
    %dma_wait3A_58 = arith.constant 0 : i32
    %dma_wait3A_59 = tpu.memref_slice %arg7[%dma_wait3A_57, %dma_wait3A_58] : memref<64x768xf32, #tpu.memory_space<vmem>> -> memref<32x768xf32, #tpu.memory_space<vmem>>
    %dma_wait3A_60 = arith.constant 0 : i32
    %dma_wait3A_61 = arith.constant 0 : i32
    %dma_wait3A_62 = tpu.memref_slice %arg4[%dma_wait3A_60, %dma_wait3A_61] : memref<2112x768xf32, #tpu.memory_space<hbm>> -> memref<2112x768xf32, #tpu.memory_space<hbm>>
    tpu.wait_indirect_dma semaphore(%arg8 : memref<!tpu.dma_semaphore, #tpu.memory_space<semaphore_mem>>) src(%dma_wait3A_59 : memref<32x768xf32, #tpu.memory_space<vmem>>) dst(%dma_wait3A_62 : memref<2112x768xf32, #tpu.memory_space<hbm>>)
    %dma_wait3A_63 = arith.constant 32 : i32
    %dma_wait3A_64 = arith.constant 0 : i32
    %dma_wait3A_65 = tpu.memref_slice %arg7[%dma_wait3A_63, %dma_wait3A_64] : memref<64x768xf32, #tpu.memory_space<vmem>> -> memref<32x768xf32, #tpu.memory_space<vmem>>
    %dma_wait3A_66 = arith.constant 0 : i32
    %dma_wait3A_67 = arith.constant 0 : i32
    %dma_wait3A_68 = tpu.memref_slice %arg4[%dma_wait3A_66, %dma_wait3A_67] : memref<2112x768xf32, #tpu.memory_space<hbm>> -> memref<2112x768xf32, #tpu.memory_space<hbm>>
    tpu.wait_indirect_dma semaphore(%arg9 : memref<!tpu.dma_semaphore, #tpu.memory_space<semaphore_mem>>) src(%dma_wait3A_65 : memref<32x768xf32, #tpu.memory_space<vmem>>) dst(%dma_wait3A_68 : memref<2112x768xf32, #tpu.memory_space<hbm>>)
    return
  }
}

#map = affine_map<(d0, d1) -> (0, 0)>
#map1 = affine_map<(d0, d1) -> (0)>
module attributes {stable_mosaic.version = 14 : i64} {
  func.func @sc_gather(%arg0: i32, %arg1: i32, %arg2: memref<2112x768xf32, #tpu.memory_space<hbm>>, %arg3: memref<2048xi32, #tpu.memory_space<hbm>>, %arg4: memref<2048x768xf32, #tpu.memory_space<hbm>>, %arg5: memref<32xi32, #tpu.memory_space<vmem>>, %arg6: memref<32xi32, #tpu.memory_space<vmem>>, %arg7: memref<64x768xf32, #tpu.memory_space<vmem>>, %arg8: memref<!tpu.dma_semaphore, #tpu.memory_space<semaphore_mem>>, %arg9: memref<!tpu.dma_semaphore, #tpu.memory_space<semaphore_mem>>) attributes {dimension_semantics = [#tpu.dimension_semantics<core_parallel>, #tpu.dimension_semantics<subcore_parallel>], iteration_bounds = array<i64: 2, 16>, scalar_prefetch = 0 : i64, scratch_operands = 5 : i64, tpu.core_type = #tpu.core_type<sc_vector_subcore>, window_params = [{transform_indices = #map}, {transform_indices = #map1}, {transform_indices = #map}]} {
    %mul3A = arith.constant 2 : i32
    %mul3A_0 = arith.muli %arg1, %mul3A : i32
    %add3A = arith.addi %mul3A_0, %arg0 : i32
    %mul3A_1 = arith.constant 64 : i32
    %mul3A_2 = arith.muli %add3A, %mul3A_1 : i32
    "tpu.region"() ({
      %run_scoped3A = tpu.sem_alloc : memref<!tpu.dma_semaphore, #tpu.memory_space<semaphore_mem>>
      %dma_start3A_69 = tpu.memref_slice %arg3[%mul3A_2] : memref<2048xi32, #tpu.memory_space<hbm>> -> memref<32xi32, #tpu.memory_space<hbm>>
      %dma_start3A_70 = tpu.memref_slice %arg3[%mul3A_2] : memref<2048xi32, #tpu.memory_space<hbm>> -> memref<32xi32, #tpu.memory_space<hbm>>
      tpu.enqueue_dma source(%dma_start3A_70 : memref<32xi32, #tpu.memory_space<hbm>>) target(%arg5 : memref<32xi32, #tpu.memory_space<vmem>>) target_semaphore(%run_scoped3A : memref<!tpu.dma_semaphore, #tpu.memory_space<semaphore_mem>>)
      %dma_wait3A_71 = tpu.memref_slice %arg3[%mul3A_2] : memref<2048xi32, #tpu.memory_space<hbm>> -> memref<32xi32, #tpu.memory_space<hbm>>
      %dma_wait3A_72 = tpu.memref_slice %arg3[%mul3A_2] : memref<2048xi32, #tpu.memory_space<hbm>> -> memref<32xi32, #tpu.memory_space<hbm>>
      tpu.wait_dma2 semaphore(%run_scoped3A : memref<!tpu.dma_semaphore, #tpu.memory_space<semaphore_mem>>) src(%dma_wait3A_72 : memref<32xi32, #tpu.memory_space<hbm>>) dst(%arg5 : memref<32xi32, #tpu.memory_space<vmem>>)
      tpu.yield
    }) : () -> ()
    %dma_start3A = arith.constant 0 : i32
    %dma_start3A_3 = arith.constant 0 : i32
    %dma_start3A_4 = tpu.memref_slice %arg7[%dma_start3A, %dma_start3A_3] : memref<64x768xf32, #tpu.memory_space<vmem>> -> memref<32x768xf32, #tpu.memory_space<vmem>>
    %dma_start3A_5 = arith.constant 0 : i32
    %dma_start3A_6 = arith.constant 0 : i32
    %dma_start3A_7 = tpu.memref_slice %arg2[%dma_start3A_5, %dma_start3A_6] : memref<2112x768xf32, #tpu.memory_space<hbm>> -> memref<2112x768xf32, #tpu.memory_space<hbm>>
    tpu.enqueue_indirect_dma source(%dma_start3A_7 : memref<2112x768xf32, #tpu.memory_space<hbm>>) target(%dma_start3A_4 : memref<32x768xf32, #tpu.memory_space<vmem>>) offsets(%arg5 : memref<32xi32, #tpu.memory_space<vmem>>) semaphore(%arg8 : memref<!tpu.dma_semaphore, #tpu.memory_space<semaphore_mem>>)
    %add3A_8 = arith.constant 32 : i32
    %add3A_9 = arith.addi %mul3A_2, %add3A_8 : i32
    "tpu.region"() ({
      %run_scoped3A = tpu.sem_alloc : memref<!tpu.dma_semaphore, #tpu.memory_space<semaphore_mem>>
      %dma_start3A_69 = tpu.memref_slice %arg3[%add3A_9] : memref<2048xi32, #tpu.memory_space<hbm>> -> memref<32xi32, #tpu.memory_space<hbm>>
      %dma_start3A_70 = tpu.memref_slice %arg3[%add3A_9] : memref<2048xi32, #tpu.memory_space<hbm>> -> memref<32xi32, #tpu.memory_space<hbm>>
      tpu.enqueue_dma source(%dma_start3A_70 : memref<32xi32, #tpu.memory_space<hbm>>) target(%arg6 : memref<32xi32, #tpu.memory_space<vmem>>) target_semaphore(%run_scoped3A : memref<!tpu.dma_semaphore, #tpu.memory_space<semaphore_mem>>)
      %dma_wait3A_71 = tpu.memref_slice %arg3[%add3A_9] : memref<2048xi32, #tpu.memory_space<hbm>> -> memref<32xi32, #tpu.memory_space<hbm>>
      %dma_wait3A_72 = tpu.memref_slice %arg3[%add3A_9] : memref<2048xi32, #tpu.memory_space<hbm>> -> memref<32xi32, #tpu.memory_space<hbm>>
      tpu.wait_dma2 semaphore(%run_scoped3A : memref<!tpu.dma_semaphore, #tpu.memory_space<semaphore_mem>>) src(%dma_wait3A_72 : memref<32xi32, #tpu.memory_space<hbm>>) dst(%arg6 : memref<32xi32, #tpu.memory_space<vmem>>)
      tpu.yield
    }) : () -> ()
    %dma_start3A_10 = arith.constant 32 : i32
    %dma_start3A_11 = arith.constant 0 : i32
    %dma_start3A_12 = tpu.memref_slice %arg7[%dma_start3A_10, %dma_start3A_11] : memref<64x768xf32, #tpu.memory_space<vmem>> -> memref<32x768xf32, #tpu.memory_space<vmem>>
    %dma_start3A_13 = arith.constant 0 : i32
    %dma_start3A_14 = arith.constant 0 : i32
    %dma_start3A_15 = tpu.memref_slice %arg2[%dma_start3A_13, %dma_start3A_14] : memref<2112x768xf32, #tpu.memory_space<hbm>> -> memref<2112x768xf32, #tpu.memory_space<hbm>>
    tpu.enqueue_indirect_dma source(%dma_start3A_15 : memref<2112x768xf32, #tpu.memory_space<hbm>>) target(%dma_start3A_12 : memref<32x768xf32, #tpu.memory_space<vmem>>) offsets(%arg6 : memref<32xi32, #tpu.memory_space<vmem>>) semaphore(%arg9 : memref<!tpu.dma_semaphore, #tpu.memory_space<semaphore_mem>>)
    %dma_wait3A = arith.constant 0 : i32
    %dma_wait3A_16 = arith.constant 0 : i32
    %dma_wait3A_17 = tpu.memref_slice %arg7[%dma_wait3A, %dma_wait3A_16] : memref<64x768xf32, #tpu.memory_space<vmem>> -> memref<32x768xf32, #tpu.memory_space<vmem>>
    %dma_wait3A_18 = arith.constant 0 : i32
    %dma_wait3A_19 = arith.constant 0 : i32
    %dma_wait3A_20 = tpu.memref_slice %arg2[%dma_wait3A_18, %dma_wait3A_19] : memref<2112x768xf32, #tpu.memory_space<hbm>> -> memref<2112x768xf32, #tpu.memory_space<hbm>>
    tpu.wait_indirect_dma semaphore(%arg8 : memref<!tpu.dma_semaphore, #tpu.memory_space<semaphore_mem>>) src(%dma_wait3A_20 : memref<2112x768xf32, #tpu.memory_space<hbm>>) dst(%dma_wait3A_17 : memref<32x768xf32, #tpu.memory_space<vmem>>)
    %dma_start3A_21 = arith.constant 0 : i32
    %dma_start3A_22 = arith.constant 0 : i32
    %dma_start3A_23 = tpu.memref_slice %arg7[%dma_start3A_21, %dma_start3A_22] : memref<64x768xf32, #tpu.memory_space<vmem>> -> memref<32x768xf32, #tpu.memory_space<vmem>>
    %dma_start3A_24 = arith.constant 0 : i32
    %dma_start3A_25 = tpu.memref_slice %arg4[%mul3A_2, %dma_start3A_24] : memref<2048x768xf32, #tpu.memory_space<hbm>> -> memref<32x768xf32, #tpu.memory_space<hbm>>
    %dma_start3A_26 = arith.constant 0 : i32
    %dma_start3A_27 = tpu.memref_slice %arg4[%mul3A_2, %dma_start3A_26] : memref<2048x768xf32, #tpu.memory_space<hbm>> -> memref<32x768xf32, #tpu.memory_space<hbm>>
    %dma_start3A_28 = arith.constant 0 : i32
    %dma_start3A_29 = arith.constant 0 : i32
    %dma_start3A_30 = tpu.memref_slice %arg7[%dma_start3A_28, %dma_start3A_29] : memref<64x768xf32, #tpu.memory_space<vmem>> -> memref<32x768xf32, #tpu.memory_space<vmem>>
    tpu.enqueue_dma source(%dma_start3A_30 : memref<32x768xf32, #tpu.memory_space<vmem>>) target(%dma_start3A_27 : memref<32x768xf32, #tpu.memory_space<hbm>>) target_semaphore(%arg8 : memref<!tpu.dma_semaphore, #tpu.memory_space<semaphore_mem>>)
    %dma_wait3A_31 = arith.constant 32 : i32
    %dma_wait3A_32 = arith.constant 0 : i32
    %dma_wait3A_33 = tpu.memref_slice %arg7[%dma_wait3A_31, %dma_wait3A_32] : memref<64x768xf32, #tpu.memory_space<vmem>> -> memref<32x768xf32, #tpu.memory_space<vmem>>
    %dma_wait3A_34 = arith.constant 0 : i32
    %dma_wait3A_35 = arith.constant 0 : i32
    %dma_wait3A_36 = tpu.memref_slice %arg2[%dma_wait3A_34, %dma_wait3A_35] : memref<2112x768xf32, #tpu.memory_space<hbm>> -> memref<2112x768xf32, #tpu.memory_space<hbm>>
    tpu.wait_indirect_dma semaphore(%arg9 : memref<!tpu.dma_semaphore, #tpu.memory_space<semaphore_mem>>) src(%dma_wait3A_36 : memref<2112x768xf32, #tpu.memory_space<hbm>>) dst(%dma_wait3A_33 : memref<32x768xf32, #tpu.memory_space<vmem>>)
    %add3A_37 = arith.constant 32 : i32
    %add3A_38 = arith.addi %mul3A_2, %add3A_37 : i32
    %dma_start3A_39 = arith.constant 32 : i32
    %dma_start3A_40 = arith.constant 0 : i32
    %dma_start3A_41 = tpu.memref_slice %arg7[%dma_start3A_39, %dma_start3A_40] : memref<64x768xf32, #tpu.memory_space<vmem>> -> memref<32x768xf32, #tpu.memory_space<vmem>>
    %dma_start3A_42 = arith.constant 0 : i32
    %dma_start3A_43 = tpu.memref_slice %arg4[%add3A_38, %dma_start3A_42] : memref<2048x768xf32, #tpu.memory_space<hbm>> -> memref<32x768xf32, #tpu.memory_space<hbm>>
    %dma_start3A_44 = arith.constant 0 : i32
    %dma_start3A_45 = tpu.memref_slice %arg4[%add3A_38, %dma_start3A_44] : memref<2048x768xf32, #tpu.memory_space<hbm>> -> memref<32x768xf32, #tpu.memory_space<hbm>>
    %dma_start3A_46 = arith.constant 32 : i32
    %dma_start3A_47 = arith.constant 0 : i32
    %dma_start3A_48 = tpu.memref_slice %arg7[%dma_start3A_46, %dma_start3A_47] : memref<64x768xf32, #tpu.memory_space<vmem>> -> memref<32x768xf32, #tpu.memory_space<vmem>>
    tpu.enqueue_dma source(%dma_start3A_48 : memref<32x768xf32, #tpu.memory_space<vmem>>) target(%dma_start3A_45 : memref<32x768xf32, #tpu.memory_space<hbm>>) target_semaphore(%arg9 : memref<!tpu.dma_semaphore, #tpu.memory_space<semaphore_mem>>)
    %dma_wait3A_49 = arith.constant 0 : i32
    %dma_wait3A_50 = arith.constant 0 : i32
    %dma_wait3A_51 = tpu.memref_slice %arg7[%dma_wait3A_49, %dma_wait3A_50] : memref<64x768xf32, #tpu.memory_space<vmem>> -> memref<32x768xf32, #tpu.memory_space<vmem>>
    %dma_wait3A_52 = arith.constant 0 : i32
    %dma_wait3A_53 = tpu.memref_slice %arg4[%mul3A_2, %dma_wait3A_52] : memref<2048x768xf32, #tpu.memory_space<hbm>> -> memref<32x768xf32, #tpu.memory_space<hbm>>
    %dma_wait3A_54 = arith.constant 0 : i32
    %dma_wait3A_55 = tpu.memref_slice %arg4[%mul3A_2, %dma_wait3A_54] : memref<2048x768xf32, #tpu.memory_space<hbm>> -> memref<32x768xf32, #tpu.memory_space<hbm>>
    %dma_wait3A_56 = arith.constant 0 : i32
    %dma_wait3A_57 = arith.constant 0 : i32
    %dma_wait3A_58 = tpu.memref_slice %arg7[%dma_wait3A_56, %dma_wait3A_57] : memref<64x768xf32, #tpu.memory_space<vmem>> -> memref<32x768xf32, #tpu.memory_space<vmem>>
    tpu.wait_dma2 semaphore(%arg8 : memref<!tpu.dma_semaphore, #tpu.memory_space<semaphore_mem>>) src(%dma_wait3A_58 : memref<32x768xf32, #tpu.memory_space<vmem>>) dst(%dma_wait3A_55 : memref<32x768xf32, #tpu.memory_space<hbm>>)
    %dma_wait3A_59 = arith.constant 32 : i32
    %dma_wait3A_60 = arith.constant 0 : i32
    %dma_wait3A_61 = tpu.memref_slice %arg7[%dma_wait3A_59, %dma_wait3A_60] : memref<64x768xf32, #tpu.memory_space<vmem>> -> memref<32x768xf32, #tpu.memory_space<vmem>>
    %dma_wait3A_62 = arith.constant 0 : i32
    %dma_wait3A_63 = tpu.memref_slice %arg4[%add3A_38, %dma_wait3A_62] : memref<2048x768xf32, #tpu.memory_space<hbm>> -> memref<32x768xf32, #tpu.memory_space<hbm>>
    %dma_wait3A_64 = arith.constant 0 : i32
    %dma_wait3A_65 = tpu.memref_slice %arg4[%add3A_38, %dma_wait3A_64] : memref<2048x768xf32, #tpu.memory_space<hbm>> -> memref<32x768xf32, #tpu.memory_space<hbm>>
    %dma_wait3A_66 = arith.constant 32 : i32
    %dma_wait3A_67 = arith.constant 0 : i32
    %dma_wait3A_68 = tpu.memref_slice %arg7[%dma_wait3A_66, %dma_wait3A_67] : memref<64x768xf32, #tpu.memory_space<vmem>> -> memref<32x768xf32, #tpu.memory_space<vmem>>
    tpu.wait_dma2 semaphore(%arg9 : memref<!tpu.dma_semaphore, #tpu.memory_space<semaphore_mem>>) src(%dma_wait3A_68 : memref<32x768xf32, #tpu.memory_space<vmem>>) dst(%dma_wait3A_65 : memref<32x768xf32, #tpu.memory_space<hbm>>)
    return
  }
}

module attributes {stable_mosaic.version = 14 : i64} {
  func.func @_router_body(%arg0: memref<2048x768xf32, #tpu.memory_space<vmem>>, %arg1: memref<64x768xf32, #tpu.memory_space<vmem>>, %arg2: memref<2048x1xi32, #tpu.memory_space<vmem>>, %arg3: memref<1x64xi32, #tpu.memory_space<vmem>>, %arg4: memref<1x64xi32, #tpu.memory_space<vmem>>, %arg5: memref<1x1xf32, #tpu.memory_space<vmem>>) attributes {dimension_semantics = [], scalar_prefetch = 0 : i64, scratch_operands = 0 : i64, tpu.core_type = #tpu.core_type<tc>} {
    %get3A = arith.constant 0 : index
    %get3A_0 = arith.constant 0 : index
    %get3A_1 = vector.load %arg0[%get3A, %get3A_0] : memref<2048x768xf32, #tpu.memory_space<vmem>>, vector<2048x768xf32>
    %get3A_2 = arith.constant 0 : index
    %get3A_3 = arith.constant 0 : index
    %get3A_4 = vector.load %arg1[%get3A_2, %get3A_3] : memref<64x768xf32, #tpu.memory_space<vmem>>, vector<64x768xf32>
    %dot_general3A = arith.constant dense<0.000000e+00> : vector<2048x64xf32>
    %dot_general3A_5 = tpu.matmul %get3A_1, %get3A_4, %dot_general3A {dimension_numbers = #tpu.dot_dimension_numbers<[1], [1], [0], [0], [0, 0, 1, 0], [], []>, transpose_lhs_hint = false} : vector<2048x768xf32>, vector<64x768xf32>, vector<2048x64xf32> -> vector<2048x64xf32>
    %reduce_max3A = arith.constant dense<0xFF800000> : vector<2048xf32>
    %reduce_max3A_6 = vector.multi_reduction <maximumf>, %dot_general3A_5, %reduce_max3A [1] : vector<2048x64xf32> to vector<2048xf32>
    %broadcast_in_dim3A = vector.shape_cast %reduce_max3A_6 : vector<2048xf32> to vector<2048x1xf32>
    %iota3A = tpu.iota {dimensions = array<i32: 1>} : vector<2048x64xi32>
    %eq3A = vector.broadcast %broadcast_in_dim3A : vector<2048x1xf32> to vector<2048x64xf32>
    %eq3A_7 = arith.cmpf oeq, %dot_general3A_5, %eq3A : vector<2048x64xf32>
    %jit3A = arith.constant 64 : i32
    %broadcast_in_dim3A_8 = vector.broadcast %jit3A : i32 to vector<2048x64xi32>
    %select_n3A = arith.select %eq3A_7, %iota3A, %broadcast_in_dim3A_8 : vector<2048x64xi1>, vector<2048x64xi32>
    %reduce_min3A = arith.constant dense<2147483647> : vector<2048xi32>
    %reduce_min3A_9 = vector.multi_reduction <minsi>, %select_n3A, %reduce_min3A [1] : vector<2048x64xi32> to vector<2048xi32>
    %broadcast_in_dim3A_10 = vector.shape_cast %reduce_min3A_9 : vector<2048xi32> to vector<2048x1xi32>
    %eq3A_11 = vector.broadcast %broadcast_in_dim3A_10 : vector<2048x1xi32> to vector<2048x64xi32>
    %eq3A_12 = arith.cmpi eq, %iota3A, %eq3A_11 : vector<2048x64xi32>
    %convert_element_type3A = arith.extui %eq3A_12 : vector<2048x64xi1> to vector<2048x64xi32>
    %convert_element_type3A_13 = arith.sitofp %convert_element_type3A : vector<2048x64xi32> to vector<2048x64xf32>
    %sub3A = vector.broadcast %broadcast_in_dim3A : vector<2048x1xf32> to vector<2048x64xf32>
    %sub3A_14 = arith.subf %dot_general3A_5, %sub3A : vector<2048x64xf32>
    %exp3A = math.exp %sub3A_14 : vector<2048x64xf32>
    %reduce_sum3A = arith.constant dense<0.000000e+00> : vector<2048xf32>
    %reduce_sum3A_15 = vector.multi_reduction <add>, %exp3A, %reduce_sum3A [1] : vector<2048x64xf32> to vector<2048xf32>
    %broadcast_in_dim3A_16 = vector.shape_cast %reduce_sum3A_15 : vector<2048xf32> to vector<2048x1xf32>
    %div3A = vector.broadcast %broadcast_in_dim3A_16 : vector<2048x1xf32> to vector<2048x64xf32>
    %div3A_17 = arith.divf %exp3A, %div3A : vector<2048x64xf32>
    %reduce_sum3A_18 = arith.constant dense<0.000000e+00> : vector<64xf32>
    %reduce_sum3A_19 = vector.multi_reduction <add>, %div3A_17, %reduce_sum3A_18 [0] : vector<2048x64xf32> to vector<64xf32>
    %broadcast_in_dim3A_20 = vector.shape_cast %reduce_sum3A_19 : vector<64xf32> to vector<1x64xf32>
    %div3A_21 = arith.constant 2.048000e+03 : f32
    %div3A_22 = vector.broadcast %div3A_21 : f32 to vector<1x64xf32>
    %div3A_23 = arith.divf %broadcast_in_dim3A_20, %div3A_22 : vector<1x64xf32>
    %reduce_sum3A_24 = arith.constant dense<0.000000e+00> : vector<64xf32>
    %reduce_sum3A_25 = vector.multi_reduction <add>, %convert_element_type3A_13, %reduce_sum3A_24 [0] : vector<2048x64xf32> to vector<64xf32>
    %broadcast_in_dim3A_26 = vector.shape_cast %reduce_sum3A_25 : vector<64xf32> to vector<1x64xf32>
    %div3A_27 = arith.constant 2.048000e+03 : f32
    %div3A_28 = vector.broadcast %div3A_27 : f32 to vector<1x64xf32>
    %div3A_29 = arith.divf %broadcast_in_dim3A_26, %div3A_28 : vector<1x64xf32>
    %mul3A = arith.mulf %div3A_29, %div3A_23 : vector<1x64xf32>
    %reduce_sum3A_30 = vector.shape_cast %mul3A : vector<1x64xf32> to vector<1x1x64xf32>
    %reduce_sum3A_31 = arith.constant dense<0.000000e+00> : vector<1xf32>
    %reduce_sum3A_32 = vector.multi_reduction <add>, %reduce_sum3A_30, %reduce_sum3A_31 [1, 2] : vector<1x1x64xf32> to vector<1xf32>
    %reduce_sum3A_33 = vector.shape_cast %reduce_sum3A_32 : vector<1xf32> to vector<1x1x1xf32>
    %reduce_sum3A_34 = vector.extract %reduce_sum3A_33[0, 0, 0] : f32 from vector<1x1x1xf32>
    %broadcast_in_dim3A_35 = vector.broadcast %reduce_sum3A_34 : f32 to vector<1x1xf32>
    %mul3A_36 = arith.constant 6.400000e+01 : f32
    %mul3A_37 = vector.broadcast %mul3A_36 : f32 to vector<1x1xf32>
    %mul3A_38 = arith.mulf %mul3A_37, %broadcast_in_dim3A_35 : vector<1x1xf32>
    %swap3A = arith.constant 0 : index
    %swap3A_39 = arith.constant 0 : index
    %swap3A_40 = vector.load %arg5[%swap3A, %swap3A_39] : memref<1x1xf32, #tpu.memory_space<vmem>>, vector<1x1xf32>
    tpu.vector_store %arg5[%swap3A, %swap3A_39], %mul3A_38 {strides = array<i32>} : memref<1x1xf32, #tpu.memory_space<vmem>>, vector<1x1xf32>,
    %iota3A_41 = tpu.iota {dimensions = array<i32: 0>} : vector<64x64xi32>
    %iota3A_42 = tpu.iota {dimensions = array<i32: 1>} : vector<64x64xi32>
    %lt3A = arith.cmpi slt, %iota3A_41, %iota3A_42 : vector<64x64xi32>
    %convert_element_type3A_43 = arith.extui %lt3A : vector<64x64xi1> to vector<64x64xi32>
    %convert_element_type3A_44 = arith.sitofp %convert_element_type3A_43 : vector<64x64xi32> to vector<64x64xf32>
    %dot_general3A_45 = arith.constant dense<0.000000e+00> : vector<1x64xf32>
    %dot_general3A_46 = tpu.matmul %broadcast_in_dim3A_26, %convert_element_type3A_44, %dot_general3A_45 {dimension_numbers = #tpu.dot_dimension_numbers<[1], [0], [0], [1], [0, 0, 1, 1], [], []>, transpose_lhs_hint = false} : vector<1x64xf32>, vector<64x64xf32>, vector<1x64xf32> -> vector<1x64xf32>
    %convert_element_type3A_47 = arith.fptosi %dot_general3A_46 : vector<1x64xf32> to vector<1x64xi32>
    %swap3A_48 = arith.constant 0 : index
    %swap3A_49 = arith.constant 0 : index
    %swap3A_50 = vector.load %arg3[%swap3A_48, %swap3A_49] : memref<1x64xi32, #tpu.memory_space<vmem>>, vector<1x64xi32>
    tpu.vector_store %arg3[%swap3A_48, %swap3A_49], %convert_element_type3A_47 {strides = array<i32>} : memref<1x64xi32, #tpu.memory_space<vmem>>, vector<1x64xi32>,
    %convert_element_type3A_51 = arith.fptosi %broadcast_in_dim3A_26 : vector<1x64xf32> to vector<1x64xi32>
    %swap3A_52 = arith.constant 0 : index
    %swap3A_53 = arith.constant 0 : index
    %swap3A_54 = vector.load %arg4[%swap3A_52, %swap3A_53] : memref<1x64xi32, #tpu.memory_space<vmem>>, vector<1x64xi32>
    tpu.vector_store %arg4[%swap3A_52, %swap3A_53], %convert_element_type3A_51 {strides = array<i32>} : memref<1x64xi32, #tpu.memory_space<vmem>>, vector<1x64xi32>,
    %iota3A_55 = tpu.iota {dimensions = array<i32: 0>} : vector<128x128xi32>
    %iota3A_56 = tpu.iota {dimensions = array<i32: 1>} : vector<128x128xi32>
    %lt3A_57 = arith.cmpi slt, %iota3A_56, %iota3A_55 : vector<128x128xi32>
    %convert_element_type3A_58 = arith.extui %lt3A_57 : vector<128x128xi1> to vector<128x128xi32>
    %convert_element_type3A_59 = arith.sitofp %convert_element_type3A_58 : vector<128x128xi32> to vector<128x128xf32>
    %broadcast_in_dim3A_60 = arith.constant 0.000000e+00 : f32
    %broadcast_in_dim3A_61 = vector.broadcast %broadcast_in_dim3A_60 : f32 to vector<1x64xf32>
    %slice3A = vector.extract_strided_slice %convert_element_type3A_13 {offsets = [0, 0], sizes = [128, 64], strides = [1, 1]} : vector<2048x64xf32> to vector<128x64xf32>
    %dot_general3A_62 = arith.constant dense<0.000000e+00> : vector<128x64xf32>
    %dot_general3A_63 = tpu.matmul %convert_element_type3A_59, %slice3A, %dot_general3A_62 {dimension_numbers = #tpu.dot_dimension_numbers<[1], [0], [0], [1], [0, 0, 1, 1], [], []>, transpose_lhs_hint = false} : vector<128x128xf32>, vector<128x64xf32>, vector<128x64xf32> -> vector<128x64xf32>
    %add3A = vector.broadcast %broadcast_in_dim3A_61 : vector<1x64xf32> to vector<128x64xf32>
    %add3A_64 = arith.addf %dot_general3A_63, %add3A : vector<128x64xf32>
    %mul3A_65 = arith.mulf %add3A_64, %slice3A : vector<128x64xf32>
    %reduce_sum3A_66 = arith.constant dense<0.000000e+00> : vector<128xf32>
    %reduce_sum3A_67 = vector.multi_reduction <add>, %mul3A_65, %reduce_sum3A_66 [1] : vector<128x64xf32> to vector<128xf32>
    %broadcast_in_dim3A_68 = vector.shape_cast %reduce_sum3A_67 : vector<128xf32> to vector<128x1xf32>
    %mul3A_69 = vector.broadcast %dot_general3A_46 : vector<1x64xf32> to vector<128x64xf32>
    %mul3A_70 = arith.mulf %mul3A_69, %slice3A : vector<128x64xf32>
    %reduce_sum3A_71 = arith.constant dense<0.000000e+00> : vector<128xf32>
    %reduce_sum3A_72 = vector.multi_reduction <add>, %mul3A_70, %reduce_sum3A_71 [1] : vector<128x64xf32> to vector<128xf32>
    %broadcast_in_dim3A_73 = vector.shape_cast %reduce_sum3A_72 : vector<128xf32> to vector<128x1xf32>
    %add3A_74 = arith.addf %broadcast_in_dim3A_73, %broadcast_in_dim3A_68 : vector<128x1xf32>
    %convert_element_type3A_75 = arith.fptosi %add3A_74 : vector<128x1xf32> to vector<128x1xi32>
    %swap3A_76 = arith.constant 0 : index
    %swap3A_77 = arith.constant 0 : index
    %swap3A_78 = vector.load %arg2[%swap3A_76, %swap3A_77] : memref<2048x1xi32, #tpu.memory_space<vmem>>, vector<128x1xi32>
    tpu.vector_store %arg2[%swap3A_76, %swap3A_77], %convert_element_type3A_75 {strides = array<i32>} : memref<2048x1xi32, #tpu.memory_space<vmem>>, vector<128x1xi32>,
    %reduce_sum3A_79 = arith.constant dense<0.000000e+00> : vector<64xf32>
    %reduce_sum3A_80 = vector.multi_reduction <add>, %slice3A, %reduce_sum3A_79 [0] : vector<128x64xf32> to vector<64xf32>
    %broadcast_in_dim3A_81 = vector.shape_cast %reduce_sum3A_80 : vector<64xf32> to vector<1x64xf32>
    %add3A_82 = arith.addf %broadcast_in_dim3A_61, %broadcast_in_dim3A_81 : vector<1x64xf32>
    %slice3A_83 = vector.extract_strided_slice %convert_element_type3A_13 {offsets = [128, 0], sizes = [128, 64], strides = [1, 1]} : vector<2048x64xf32> to vector<128x64xf32>
    %dot_general3A_84 = arith.constant dense<0.000000e+00> : vector<128x64xf32>
    %dot_general3A_85 = tpu.matmul %convert_element_type3A_59, %slice3A_83, %dot_general3A_84 {dimension_numbers = #tpu.dot_dimension_numbers<[1], [0], [0], [1], [0, 0, 1, 1], [], []>, transpose_lhs_hint = false} : vector<128x128xf32>, vector<128x64xf32>, vector<128x64xf32> -> vector<128x64xf32>
    %add3A_86 = vector.broadcast %add3A_82 : vector<1x64xf32> to vector<128x64xf32>
    %add3A_87 = arith.addf %dot_general3A_85, %add3A_86 : vector<128x64xf32>
    %mul3A_88 = arith.mulf %add3A_87, %slice3A_83 : vector<128x64xf32>
    %reduce_sum3A_89 = arith.constant dense<0.000000e+00> : vector<128xf32>
    %reduce_sum3A_90 = vector.multi_reduction <add>, %mul3A_88, %reduce_sum3A_89 [1] : vector<128x64xf32> to vector<128xf32>
    %broadcast_in_dim3A_91 = vector.shape_cast %reduce_sum3A_90 : vector<128xf32> to vector<128x1xf32>
    %mul3A_92 = vector.broadcast %dot_general3A_46 : vector<1x64xf32> to vector<128x64xf32>
    %mul3A_93 = arith.mulf %mul3A_92, %slice3A_83 : vector<128x64xf32>
    %reduce_sum3A_94 = arith.constant dense<0.000000e+00> : vector<128xf32>
    %reduce_sum3A_95 = vector.multi_reduction <add>, %mul3A_93, %reduce_sum3A_94 [1] : vector<128x64xf32> to vector<128xf32>
    %broadcast_in_dim3A_96 = vector.shape_cast %reduce_sum3A_95 : vector<128xf32> to vector<128x1xf32>
    %add3A_97 = arith.addf %broadcast_in_dim3A_96, %broadcast_in_dim3A_91 : vector<128x1xf32>
    %convert_element_type3A_98 = arith.fptosi %add3A_97 : vector<128x1xf32> to vector<128x1xi32>
    %swap3A_99 = arith.constant 128 : index
    %swap3A_100 = arith.constant 0 : index
    %swap3A_101 = vector.load %arg2[%swap3A_99, %swap3A_100] : memref<2048x1xi32, #tpu.memory_space<vmem>>, vector<128x1xi32>
    tpu.vector_store %arg2[%swap3A_99, %swap3A_100], %convert_element_type3A_98 {strides = array<i32>} : memref<2048x1xi32, #tpu.memory_space<vmem>>, vector<128x1xi32>,
    %reduce_sum3A_102 = arith.constant dense<0.000000e+00> : vector<64xf32>
    %reduce_sum3A_103 = vector.multi_reduction <add>, %slice3A_83, %reduce_sum3A_102 [0] : vector<128x64xf32> to vector<64xf32>
    %broadcast_in_dim3A_104 = vector.shape_cast %reduce_sum3A_103 : vector<64xf32> to vector<1x64xf32>
    %add3A_105 = arith.addf %add3A_82, %broadcast_in_dim3A_104 : vector<1x64xf32>
    %slice3A_106 = vector.extract_strided_slice %convert_element_type3A_13 {offsets = [256, 0], sizes = [128, 64], strides = [1, 1]} : vector<2048x64xf32> to vector<128x64xf32>
    %dot_general3A_107 = arith.constant dense<0.000000e+00> : vector<128x64xf32>
    %dot_general3A_108 = tpu.matmul %convert_element_type3A_59, %slice3A_106, %dot_general3A_107 {dimension_numbers = #tpu.dot_dimension_numbers<[1], [0], [0], [1], [0, 0, 1, 1], [], []>, transpose_lhs_hint = false} : vector<128x128xf32>, vector<128x64xf32>, vector<128x64xf32> -> vector<128x64xf32>
    %add3A_109 = vector.broadcast %add3A_105 : vector<1x64xf32> to vector<128x64xf32>
    %add3A_110 = arith.addf %dot_general3A_108, %add3A_109 : vector<128x64xf32>
    %mul3A_111 = arith.mulf %add3A_110, %slice3A_106 : vector<128x64xf32>
    %reduce_sum3A_112 = arith.constant dense<0.000000e+00> : vector<128xf32>
    %reduce_sum3A_113 = vector.multi_reduction <add>, %mul3A_111, %reduce_sum3A_112 [1] : vector<128x64xf32> to vector<128xf32>
    %broadcast_in_dim3A_114 = vector.shape_cast %reduce_sum3A_113 : vector<128xf32> to vector<128x1xf32>
    %mul3A_115 = vector.broadcast %dot_general3A_46 : vector<1x64xf32> to vector<128x64xf32>
    %mul3A_116 = arith.mulf %mul3A_115, %slice3A_106 : vector<128x64xf32>
    %reduce_sum3A_117 = arith.constant dense<0.000000e+00> : vector<128xf32>
    %reduce_sum3A_118 = vector.multi_reduction <add>, %mul3A_116, %reduce_sum3A_117 [1] : vector<128x64xf32> to vector<128xf32>
    %broadcast_in_dim3A_119 = vector.shape_cast %reduce_sum3A_118 : vector<128xf32> to vector<128x1xf32>
    %add3A_120 = arith.addf %broadcast_in_dim3A_119, %broadcast_in_dim3A_114 : vector<128x1xf32>
    %convert_element_type3A_121 = arith.fptosi %add3A_120 : vector<128x1xf32> to vector<128x1xi32>
    %swap3A_122 = arith.constant 256 : index
    %swap3A_123 = arith.constant 0 : index
    %swap3A_124 = vector.load %arg2[%swap3A_122, %swap3A_123] : memref<2048x1xi32, #tpu.memory_space<vmem>>, vector<128x1xi32>
    tpu.vector_store %arg2[%swap3A_122, %swap3A_123], %convert_element_type3A_121 {strides = array<i32>} : memref<2048x1xi32, #tpu.memory_space<vmem>>, vector<128x1xi32>,
    %reduce_sum3A_125 = arith.constant dense<0.000000e+00> : vector<64xf32>
    %reduce_sum3A_126 = vector.multi_reduction <add>, %slice3A_106, %reduce_sum3A_125 [0] : vector<128x64xf32> to vector<64xf32>
    %broadcast_in_dim3A_127 = vector.shape_cast %reduce_sum3A_126 : vector<64xf32> to vector<1x64xf32>
    %add3A_128 = arith.addf %add3A_105, %broadcast_in_dim3A_127 : vector<1x64xf32>
    %slice3A_129 = vector.extract_strided_slice %convert_element_type3A_13 {offsets = [384, 0], sizes = [128, 64], strides = [1, 1]} : vector<2048x64xf32> to vector<128x64xf32>
    %dot_general3A_130 = arith.constant dense<0.000000e+00> : vector<128x64xf32>
    %dot_general3A_131 = tpu.matmul %convert_element_type3A_59, %slice3A_129, %dot_general3A_130 {dimension_numbers = #tpu.dot_dimension_numbers<[1], [0], [0], [1], [0, 0, 1, 1], [], []>, transpose_lhs_hint = false} : vector<128x128xf32>, vector<128x64xf32>, vector<128x64xf32> -> vector<128x64xf32>
    %add3A_132 = vector.broadcast %add3A_128 : vector<1x64xf32> to vector<128x64xf32>
    %add3A_133 = arith.addf %dot_general3A_131, %add3A_132 : vector<128x64xf32>
    %mul3A_134 = arith.mulf %add3A_133, %slice3A_129 : vector<128x64xf32>
    %reduce_sum3A_135 = arith.constant dense<0.000000e+00> : vector<128xf32>
    %reduce_sum3A_136 = vector.multi_reduction <add>, %mul3A_134, %reduce_sum3A_135 [1] : vector<128x64xf32> to vector<128xf32>
    %broadcast_in_dim3A_137 = vector.shape_cast %reduce_sum3A_136 : vector<128xf32> to vector<128x1xf32>
    %mul3A_138 = vector.broadcast %dot_general3A_46 : vector<1x64xf32> to vector<128x64xf32>
    %mul3A_139 = arith.mulf %mul3A_138, %slice3A_129 : vector<128x64xf32>
    %reduce_sum3A_140 = arith.constant dense<0.000000e+00> : vector<128xf32>
    %reduce_sum3A_141 = vector.multi_reduction <add>, %mul3A_139, %reduce_sum3A_140 [1] : vector<128x64xf32> to vector<128xf32>
    %broadcast_in_dim3A_142 = vector.shape_cast %reduce_sum3A_141 : vector<128xf32> to vector<128x1xf32>
    %add3A_143 = arith.addf %broadcast_in_dim3A_142, %broadcast_in_dim3A_137 : vector<128x1xf32>
    %convert_element_type3A_144 = arith.fptosi %add3A_143 : vector<128x1xf32> to vector<128x1xi32>
    %swap3A_145 = arith.constant 384 : index
    %swap3A_146 = arith.constant 0 : index
    %swap3A_147 = vector.load %arg2[%swap3A_145, %swap3A_146] : memref<2048x1xi32, #tpu.memory_space<vmem>>, vector<128x1xi32>
    tpu.vector_store %arg2[%swap3A_145, %swap3A_146], %convert_element_type3A_144 {strides = array<i32>} : memref<2048x1xi32, #tpu.memory_space<vmem>>, vector<128x1xi32>,
    %reduce_sum3A_148 = arith.constant dense<0.000000e+00> : vector<64xf32>
    %reduce_sum3A_149 = vector.multi_reduction <add>, %slice3A_129, %reduce_sum3A_148 [0] : vector<128x64xf32> to vector<64xf32>
    %broadcast_in_dim3A_150 = vector.shape_cast %reduce_sum3A_149 : vector<64xf32> to vector<1x64xf32>
    %add3A_151 = arith.addf %add3A_128, %broadcast_in_dim3A_150 : vector<1x64xf32>
    %slice3A_152 = vector.extract_strided_slice %convert_element_type3A_13 {offsets = [512, 0], sizes = [128, 64], strides = [1, 1]} : vector<2048x64xf32> to vector<128x64xf32>
    %dot_general3A_153 = arith.constant dense<0.000000e+00> : vector<128x64xf32>
    %dot_general3A_154 = tpu.matmul %convert_element_type3A_59, %slice3A_152, %dot_general3A_153 {dimension_numbers = #tpu.dot_dimension_numbers<[1], [0], [0], [1], [0, 0, 1, 1], [], []>, transpose_lhs_hint = false} : vector<128x128xf32>, vector<128x64xf32>, vector<128x64xf32> -> vector<128x64xf32>
    %add3A_155 = vector.broadcast %add3A_151 : vector<1x64xf32> to vector<128x64xf32>
    %add3A_156 = arith.addf %dot_general3A_154, %add3A_155 : vector<128x64xf32>
    %mul3A_157 = arith.mulf %add3A_156, %slice3A_152 : vector<128x64xf32>
    %reduce_sum3A_158 = arith.constant dense<0.000000e+00> : vector<128xf32>
    %reduce_sum3A_159 = vector.multi_reduction <add>, %mul3A_157, %reduce_sum3A_158 [1] : vector<128x64xf32> to vector<128xf32>
    %broadcast_in_dim3A_160 = vector.shape_cast %reduce_sum3A_159 : vector<128xf32> to vector<128x1xf32>
    %mul3A_161 = vector.broadcast %dot_general3A_46 : vector<1x64xf32> to vector<128x64xf32>
    %mul3A_162 = arith.mulf %mul3A_161, %slice3A_152 : vector<128x64xf32>
    %reduce_sum3A_163 = arith.constant dense<0.000000e+00> : vector<128xf32>
    %reduce_sum3A_164 = vector.multi_reduction <add>, %mul3A_162, %reduce_sum3A_163 [1] : vector<128x64xf32> to vector<128xf32>
    %broadcast_in_dim3A_165 = vector.shape_cast %reduce_sum3A_164 : vector<128xf32> to vector<128x1xf32>
    %add3A_166 = arith.addf %broadcast_in_dim3A_165, %broadcast_in_dim3A_160 : vector<128x1xf32>
    %convert_element_type3A_167 = arith.fptosi %add3A_166 : vector<128x1xf32> to vector<128x1xi32>
    %swap3A_168 = arith.constant 512 : index
    %swap3A_169 = arith.constant 0 : index
    %swap3A_170 = vector.load %arg2[%swap3A_168, %swap3A_169] : memref<2048x1xi32, #tpu.memory_space<vmem>>, vector<128x1xi32>
    tpu.vector_store %arg2[%swap3A_168, %swap3A_169], %convert_element_type3A_167 {strides = array<i32>} : memref<2048x1xi32, #tpu.memory_space<vmem>>, vector<128x1xi32>,
    %reduce_sum3A_171 = arith.constant dense<0.000000e+00> : vector<64xf32>
    %reduce_sum3A_172 = vector.multi_reduction <add>, %slice3A_152, %reduce_sum3A_171 [0] : vector<128x64xf32> to vector<64xf32>
    %broadcast_in_dim3A_173 = vector.shape_cast %reduce_sum3A_172 : vector<64xf32> to vector<1x64xf32>
    %add3A_174 = arith.addf %add3A_151, %broadcast_in_dim3A_173 : vector<1x64xf32>
    %slice3A_175 = vector.extract_strided_slice %convert_element_type3A_13 {offsets = [640, 0], sizes = [128, 64], strides = [1, 1]} : vector<2048x64xf32> to vector<128x64xf32>
    %dot_general3A_176 = arith.constant dense<0.000000e+00> : vector<128x64xf32>
    %dot_general3A_177 = tpu.matmul %convert_element_type3A_59, %slice3A_175, %dot_general3A_176 {dimension_numbers = #tpu.dot_dimension_numbers<[1], [0], [0], [1], [0, 0, 1, 1], [], []>, transpose_lhs_hint = false} : vector<128x128xf32>, vector<128x64xf32>, vector<128x64xf32> -> vector<128x64xf32>
    %add3A_178 = vector.broadcast %add3A_174 : vector<1x64xf32> to vector<128x64xf32>
    %add3A_179 = arith.addf %dot_general3A_177, %add3A_178 : vector<128x64xf32>
    %mul3A_180 = arith.mulf %add3A_179, %slice3A_175 : vector<128x64xf32>
    %reduce_sum3A_181 = arith.constant dense<0.000000e+00> : vector<128xf32>
    %reduce_sum3A_182 = vector.multi_reduction <add>, %mul3A_180, %reduce_sum3A_181 [1] : vector<128x64xf32> to vector<128xf32>
    %broadcast_in_dim3A_183 = vector.shape_cast %reduce_sum3A_182 : vector<128xf32> to vector<128x1xf32>
    %mul3A_184 = vector.broadcast %dot_general3A_46 : vector<1x64xf32> to vector<128x64xf32>
    %mul3A_185 = arith.mulf %mul3A_184, %slice3A_175 : vector<128x64xf32>
    %reduce_sum3A_186 = arith.constant dense<0.000000e+00> : vector<128xf32>
    %reduce_sum3A_187 = vector.multi_reduction <add>, %mul3A_185, %reduce_sum3A_186 [1] : vector<128x64xf32> to vector<128xf32>
    %broadcast_in_dim3A_188 = vector.shape_cast %reduce_sum3A_187 : vector<128xf32> to vector<128x1xf32>
    %add3A_189 = arith.addf %broadcast_in_dim3A_188, %broadcast_in_dim3A_183 : vector<128x1xf32>
    %convert_element_type3A_190 = arith.fptosi %add3A_189 : vector<128x1xf32> to vector<128x1xi32>
    %swap3A_191 = arith.constant 640 : index
    %swap3A_192 = arith.constant 0 : index
    %swap3A_193 = vector.load %arg2[%swap3A_191, %swap3A_192] : memref<2048x1xi32, #tpu.memory_space<vmem>>, vector<128x1xi32>
    tpu.vector_store %arg2[%swap3A_191, %swap3A_192], %convert_element_type3A_190 {strides = array<i32>} : memref<2048x1xi32, #tpu.memory_space<vmem>>, vector<128x1xi32>,
    %reduce_sum3A_194 = arith.constant dense<0.000000e+00> : vector<64xf32>
    %reduce_sum3A_195 = vector.multi_reduction <add>, %slice3A_175, %reduce_sum3A_194 [0] : vector<128x64xf32> to vector<64xf32>
    %broadcast_in_dim3A_196 = vector.shape_cast %reduce_sum3A_195 : vector<64xf32> to vector<1x64xf32>
    %add3A_197 = arith.addf %add3A_174, %broadcast_in_dim3A_196 : vector<1x64xf32>
    %slice3A_198 = vector.extract_strided_slice %convert_element_type3A_13 {offsets = [768, 0], sizes = [128, 64], strides = [1, 1]} : vector<2048x64xf32> to vector<128x64xf32>
    %dot_general3A_199 = arith.constant dense<0.000000e+00> : vector<128x64xf32>
    %dot_general3A_200 = tpu.matmul %convert_element_type3A_59, %slice3A_198, %dot_general3A_199 {dimension_numbers = #tpu.dot_dimension_numbers<[1], [0], [0], [1], [0, 0, 1, 1], [], []>, transpose_lhs_hint = false} : vector<128x128xf32>, vector<128x64xf32>, vector<128x64xf32> -> vector<128x64xf32>
    %add3A_201 = vector.broadcast %add3A_197 : vector<1x64xf32> to vector<128x64xf32>
    %add3A_202 = arith.addf %dot_general3A_200, %add3A_201 : vector<128x64xf32>
    %mul3A_203 = arith.mulf %add3A_202, %slice3A_198 : vector<128x64xf32>
    %reduce_sum3A_204 = arith.constant dense<0.000000e+00> : vector<128xf32>
    %reduce_sum3A_205 = vector.multi_reduction <add>, %mul3A_203, %reduce_sum3A_204 [1] : vector<128x64xf32> to vector<128xf32>
    %broadcast_in_dim3A_206 = vector.shape_cast %reduce_sum3A_205 : vector<128xf32> to vector<128x1xf32>
    %mul3A_207 = vector.broadcast %dot_general3A_46 : vector<1x64xf32> to vector<128x64xf32>
    %mul3A_208 = arith.mulf %mul3A_207, %slice3A_198 : vector<128x64xf32>
    %reduce_sum3A_209 = arith.constant dense<0.000000e+00> : vector<128xf32>
    %reduce_sum3A_210 = vector.multi_reduction <add>, %mul3A_208, %reduce_sum3A_209 [1] : vector<128x64xf32> to vector<128xf32>
    %broadcast_in_dim3A_211 = vector.shape_cast %reduce_sum3A_210 : vector<128xf32> to vector<128x1xf32>
    %add3A_212 = arith.addf %broadcast_in_dim3A_211, %broadcast_in_dim3A_206 : vector<128x1xf32>
    %convert_element_type3A_213 = arith.fptosi %add3A_212 : vector<128x1xf32> to vector<128x1xi32>
    %swap3A_214 = arith.constant 768 : index
    %swap3A_215 = arith.constant 0 : index
    %swap3A_216 = vector.load %arg2[%swap3A_214, %swap3A_215] : memref<2048x1xi32, #tpu.memory_space<vmem>>, vector<128x1xi32>
    tpu.vector_store %arg2[%swap3A_214, %swap3A_215], %convert_element_type3A_213 {strides = array<i32>} : memref<2048x1xi32, #tpu.memory_space<vmem>>, vector<128x1xi32>,
    %reduce_sum3A_217 = arith.constant dense<0.000000e+00> : vector<64xf32>
    %reduce_sum3A_218 = vector.multi_reduction <add>, %slice3A_198, %reduce_sum3A_217 [0] : vector<128x64xf32> to vector<64xf32>
    %broadcast_in_dim3A_219 = vector.shape_cast %reduce_sum3A_218 : vector<64xf32> to vector<1x64xf32>
    %add3A_220 = arith.addf %add3A_197, %broadcast_in_dim3A_219 : vector<1x64xf32>
    %slice3A_221 = vector.extract_strided_slice %convert_element_type3A_13 {offsets = [896, 0], sizes = [128, 64], strides = [1, 1]} : vector<2048x64xf32> to vector<128x64xf32>
    %dot_general3A_222 = arith.constant dense<0.000000e+00> : vector<128x64xf32>
    %dot_general3A_223 = tpu.matmul %convert_element_type3A_59, %slice3A_221, %dot_general3A_222 {dimension_numbers = #tpu.dot_dimension_numbers<[1], [0], [0], [1], [0, 0, 1, 1], [], []>, transpose_lhs_hint = false} : vector<128x128xf32>, vector<128x64xf32>, vector<128x64xf32> -> vector<128x64xf32>
    %add3A_224 = vector.broadcast %add3A_220 : vector<1x64xf32> to vector<128x64xf32>
    %add3A_225 = arith.addf %dot_general3A_223, %add3A_224 : vector<128x64xf32>
    %mul3A_226 = arith.mulf %add3A_225, %slice3A_221 : vector<128x64xf32>
    %reduce_sum3A_227 = arith.constant dense<0.000000e+00> : vector<128xf32>
    %reduce_sum3A_228 = vector.multi_reduction <add>, %mul3A_226, %reduce_sum3A_227 [1] : vector<128x64xf32> to vector<128xf32>
    %broadcast_in_dim3A_229 = vector.shape_cast %reduce_sum3A_228 : vector<128xf32> to vector<128x1xf32>
    %mul3A_230 = vector.broadcast %dot_general3A_46 : vector<1x64xf32> to vector<128x64xf32>
    %mul3A_231 = arith.mulf %mul3A_230, %slice3A_221 : vector<128x64xf32>
    %reduce_sum3A_232 = arith.constant dense<0.000000e+00> : vector<128xf32>
    %reduce_sum3A_233 = vector.multi_reduction <add>, %mul3A_231, %reduce_sum3A_232 [1] : vector<128x64xf32> to vector<128xf32>
    %broadcast_in_dim3A_234 = vector.shape_cast %reduce_sum3A_233 : vector<128xf32> to vector<128x1xf32>
    %add3A_235 = arith.addf %broadcast_in_dim3A_234, %broadcast_in_dim3A_229 : vector<128x1xf32>
    %convert_element_type3A_236 = arith.fptosi %add3A_235 : vector<128x1xf32> to vector<128x1xi32>
    %swap3A_237 = arith.constant 896 : index
    %swap3A_238 = arith.constant 0 : index
    %swap3A_239 = vector.load %arg2[%swap3A_237, %swap3A_238] : memref<2048x1xi32, #tpu.memory_space<vmem>>, vector<128x1xi32>
    tpu.vector_store %arg2[%swap3A_237, %swap3A_238], %convert_element_type3A_236 {strides = array<i32>} : memref<2048x1xi32, #tpu.memory_space<vmem>>, vector<128x1xi32>,
    %reduce_sum3A_240 = arith.constant dense<0.000000e+00> : vector<64xf32>
    %reduce_sum3A_241 = vector.multi_reduction <add>, %slice3A_221, %reduce_sum3A_240 [0] : vector<128x64xf32> to vector<64xf32>
    %broadcast_in_dim3A_242 = vector.shape_cast %reduce_sum3A_241 : vector<64xf32> to vector<1x64xf32>
    %add3A_243 = arith.addf %add3A_220, %broadcast_in_dim3A_242 : vector<1x64xf32>
    %slice3A_244 = vector.extract_strided_slice %convert_element_type3A_13 {offsets = [1024, 0], sizes = [128, 64], strides = [1, 1]} : vector<2048x64xf32> to vector<128x64xf32>
    %dot_general3A_245 = arith.constant dense<0.000000e+00> : vector<128x64xf32>
    %dot_general3A_246 = tpu.matmul %convert_element_type3A_59, %slice3A_244, %dot_general3A_245 {dimension_numbers = #tpu.dot_dimension_numbers<[1], [0], [0], [1], [0, 0, 1, 1], [], []>, transpose_lhs_hint = false} : vector<128x128xf32>, vector<128x64xf32>, vector<128x64xf32> -> vector<128x64xf32>
    %add3A_247 = vector.broadcast %add3A_243 : vector<1x64xf32> to vector<128x64xf32>
    %add3A_248 = arith.addf %dot_general3A_246, %add3A_247 : vector<128x64xf32>
    %mul3A_249 = arith.mulf %add3A_248, %slice3A_244 : vector<128x64xf32>
    %reduce_sum3A_250 = arith.constant dense<0.000000e+00> : vector<128xf32>
    %reduce_sum3A_251 = vector.multi_reduction <add>, %mul3A_249, %reduce_sum3A_250 [1] : vector<128x64xf32> to vector<128xf32>
    %broadcast_in_dim3A_252 = vector.shape_cast %reduce_sum3A_251 : vector<128xf32> to vector<128x1xf32>
    %mul3A_253 = vector.broadcast %dot_general3A_46 : vector<1x64xf32> to vector<128x64xf32>
    %mul3A_254 = arith.mulf %mul3A_253, %slice3A_244 : vector<128x64xf32>
    %reduce_sum3A_255 = arith.constant dense<0.000000e+00> : vector<128xf32>
    %reduce_sum3A_256 = vector.multi_reduction <add>, %mul3A_254, %reduce_sum3A_255 [1] : vector<128x64xf32> to vector<128xf32>
    %broadcast_in_dim3A_257 = vector.shape_cast %reduce_sum3A_256 : vector<128xf32> to vector<128x1xf32>
    %add3A_258 = arith.addf %broadcast_in_dim3A_257, %broadcast_in_dim3A_252 : vector<128x1xf32>
    %convert_element_type3A_259 = arith.fptosi %add3A_258 : vector<128x1xf32> to vector<128x1xi32>
    %swap3A_260 = arith.constant 1024 : index
    %swap3A_261 = arith.constant 0 : index
    %swap3A_262 = vector.load %arg2[%swap3A_260, %swap3A_261] : memref<2048x1xi32, #tpu.memory_space<vmem>>, vector<128x1xi32>
    tpu.vector_store %arg2[%swap3A_260, %swap3A_261], %convert_element_type3A_259 {strides = array<i32>} : memref<2048x1xi32, #tpu.memory_space<vmem>>, vector<128x1xi32>,
    %reduce_sum3A_263 = arith.constant dense<0.000000e+00> : vector<64xf32>
    %reduce_sum3A_264 = vector.multi_reduction <add>, %slice3A_244, %reduce_sum3A_263 [0] : vector<128x64xf32> to vector<64xf32>
    %broadcast_in_dim3A_265 = vector.shape_cast %reduce_sum3A_264 : vector<64xf32> to vector<1x64xf32>
    %add3A_266 = arith.addf %add3A_243, %broadcast_in_dim3A_265 : vector<1x64xf32>
    %slice3A_267 = vector.extract_strided_slice %convert_element_type3A_13 {offsets = [1152, 0], sizes = [128, 64], strides = [1, 1]} : vector<2048x64xf32> to vector<128x64xf32>
    %dot_general3A_268 = arith.constant dense<0.000000e+00> : vector<128x64xf32>
    %dot_general3A_269 = tpu.matmul %convert_element_type3A_59, %slice3A_267, %dot_general3A_268 {dimension_numbers = #tpu.dot_dimension_numbers<[1], [0], [0], [1], [0, 0, 1, 1], [], []>, transpose_lhs_hint = false} : vector<128x128xf32>, vector<128x64xf32>, vector<128x64xf32> -> vector<128x64xf32>
    %add3A_270 = vector.broadcast %add3A_266 : vector<1x64xf32> to vector<128x64xf32>
    %add3A_271 = arith.addf %dot_general3A_269, %add3A_270 : vector<128x64xf32>
    %mul3A_272 = arith.mulf %add3A_271, %slice3A_267 : vector<128x64xf32>
    %reduce_sum3A_273 = arith.constant dense<0.000000e+00> : vector<128xf32>
    %reduce_sum3A_274 = vector.multi_reduction <add>, %mul3A_272, %reduce_sum3A_273 [1] : vector<128x64xf32> to vector<128xf32>
    %broadcast_in_dim3A_275 = vector.shape_cast %reduce_sum3A_274 : vector<128xf32> to vector<128x1xf32>
    %mul3A_276 = vector.broadcast %dot_general3A_46 : vector<1x64xf32> to vector<128x64xf32>
    %mul3A_277 = arith.mulf %mul3A_276, %slice3A_267 : vector<128x64xf32>
    %reduce_sum3A_278 = arith.constant dense<0.000000e+00> : vector<128xf32>
    %reduce_sum3A_279 = vector.multi_reduction <add>, %mul3A_277, %reduce_sum3A_278 [1] : vector<128x64xf32> to vector<128xf32>
    %broadcast_in_dim3A_280 = vector.shape_cast %reduce_sum3A_279 : vector<128xf32> to vector<128x1xf32>
    %add3A_281 = arith.addf %broadcast_in_dim3A_280, %broadcast_in_dim3A_275 : vector<128x1xf32>
    %convert_element_type3A_282 = arith.fptosi %add3A_281 : vector<128x1xf32> to vector<128x1xi32>
    %swap3A_283 = arith.constant 1152 : index
    %swap3A_284 = arith.constant 0 : index
    %swap3A_285 = vector.load %arg2[%swap3A_283, %swap3A_284] : memref<2048x1xi32, #tpu.memory_space<vmem>>, vector<128x1xi32>
    tpu.vector_store %arg2[%swap3A_283, %swap3A_284], %convert_element_type3A_282 {strides = array<i32>} : memref<2048x1xi32, #tpu.memory_space<vmem>>, vector<128x1xi32>,
    %reduce_sum3A_286 = arith.constant dense<0.000000e+00> : vector<64xf32>
    %reduce_sum3A_287 = vector.multi_reduction <add>, %slice3A_267, %reduce_sum3A_286 [0] : vector<128x64xf32> to vector<64xf32>
    %broadcast_in_dim3A_288 = vector.shape_cast %reduce_sum3A_287 : vector<64xf32> to vector<1x64xf32>
    %add3A_289 = arith.addf %add3A_266, %broadcast_in_dim3A_288 : vector<1x64xf32>
    %slice3A_290 = vector.extract_strided_slice %convert_element_type3A_13 {offsets = [1280, 0], sizes = [128, 64], strides = [1, 1]} : vector<2048x64xf32> to vector<128x64xf32>
    %dot_general3A_291 = arith.constant dense<0.000000e+00> : vector<128x64xf32>
    %dot_general3A_292 = tpu.matmul %convert_element_type3A_59, %slice3A_290, %dot_general3A_291 {dimension_numbers = #tpu.dot_dimension_numbers<[1], [0], [0], [1], [0, 0, 1, 1], [], []>, transpose_lhs_hint = false} : vector<128x128xf32>, vector<128x64xf32>, vector<128x64xf32> -> vector<128x64xf32>
    %add3A_293 = vector.broadcast %add3A_289 : vector<1x64xf32> to vector<128x64xf32>
    %add3A_294 = arith.addf %dot_general3A_292, %add3A_293 : vector<128x64xf32>
    %mul3A_295 = arith.mulf %add3A_294, %slice3A_290 : vector<128x64xf32>
    %reduce_sum3A_296 = arith.constant dense<0.000000e+00> : vector<128xf32>
    %reduce_sum3A_297 = vector.multi_reduction <add>, %mul3A_295, %reduce_sum3A_296 [1] : vector<128x64xf32> to vector<128xf32>
    %broadcast_in_dim3A_298 = vector.shape_cast %reduce_sum3A_297 : vector<128xf32> to vector<128x1xf32>
    %mul3A_299 = vector.broadcast %dot_general3A_46 : vector<1x64xf32> to vector<128x64xf32>
    %mul3A_300 = arith.mulf %mul3A_299, %slice3A_290 : vector<128x64xf32>
    %reduce_sum3A_301 = arith.constant dense<0.000000e+00> : vector<128xf32>
    %reduce_sum3A_302 = vector.multi_reduction <add>, %mul3A_300, %reduce_sum3A_301 [1] : vector<128x64xf32> to vector<128xf32>
    %broadcast_in_dim3A_303 = vector.shape_cast %reduce_sum3A_302 : vector<128xf32> to vector<128x1xf32>
    %add3A_304 = arith.addf %broadcast_in_dim3A_303, %broadcast_in_dim3A_298 : vector<128x1xf32>
    %convert_element_type3A_305 = arith.fptosi %add3A_304 : vector<128x1xf32> to vector<128x1xi32>
    %swap3A_306 = arith.constant 1280 : index
    %swap3A_307 = arith.constant 0 : index
    %swap3A_308 = vector.load %arg2[%swap3A_306, %swap3A_307] : memref<2048x1xi32, #tpu.memory_space<vmem>>, vector<128x1xi32>
    tpu.vector_store %arg2[%swap3A_306, %swap3A_307], %convert_element_type3A_305 {strides = array<i32>} : memref<2048x1xi32, #tpu.memory_space<vmem>>, vector<128x1xi32>,
    %reduce_sum3A_309 = arith.constant dense<0.000000e+00> : vector<64xf32>
    %reduce_sum3A_310 = vector.multi_reduction <add>, %slice3A_290, %reduce_sum3A_309 [0] : vector<128x64xf32> to vector<64xf32>
    %broadcast_in_dim3A_311 = vector.shape_cast %reduce_sum3A_310 : vector<64xf32> to vector<1x64xf32>
    %add3A_312 = arith.addf %add3A_289, %broadcast_in_dim3A_311 : vector<1x64xf32>
    %slice3A_313 = vector.extract_strided_slice %convert_element_type3A_13 {offsets = [1408, 0], sizes = [128, 64], strides = [1, 1]} : vector<2048x64xf32> to vector<128x64xf32>
    %dot_general3A_314 = arith.constant dense<0.000000e+00> : vector<128x64xf32>
    %dot_general3A_315 = tpu.matmul %convert_element_type3A_59, %slice3A_313, %dot_general3A_314 {dimension_numbers = #tpu.dot_dimension_numbers<[1], [0], [0], [1], [0, 0, 1, 1], [], []>, transpose_lhs_hint = false} : vector<128x128xf32>, vector<128x64xf32>, vector<128x64xf32> -> vector<128x64xf32>
    %add3A_316 = vector.broadcast %add3A_312 : vector<1x64xf32> to vector<128x64xf32>
    %add3A_317 = arith.addf %dot_general3A_315, %add3A_316 : vector<128x64xf32>
    %mul3A_318 = arith.mulf %add3A_317, %slice3A_313 : vector<128x64xf32>
    %reduce_sum3A_319 = arith.constant dense<0.000000e+00> : vector<128xf32>
    %reduce_sum3A_320 = vector.multi_reduction <add>, %mul3A_318, %reduce_sum3A_319 [1] : vector<128x64xf32> to vector<128xf32>
    %broadcast_in_dim3A_321 = vector.shape_cast %reduce_sum3A_320 : vector<128xf32> to vector<128x1xf32>
    %mul3A_322 = vector.broadcast %dot_general3A_46 : vector<1x64xf32> to vector<128x64xf32>
    %mul3A_323 = arith.mulf %mul3A_322, %slice3A_313 : vector<128x64xf32>
    %reduce_sum3A_324 = arith.constant dense<0.000000e+00> : vector<128xf32>
    %reduce_sum3A_325 = vector.multi_reduction <add>, %mul3A_323, %reduce_sum3A_324 [1] : vector<128x64xf32> to vector<128xf32>
    %broadcast_in_dim3A_326 = vector.shape_cast %reduce_sum3A_325 : vector<128xf32> to vector<128x1xf32>
    %add3A_327 = arith.addf %broadcast_in_dim3A_326, %broadcast_in_dim3A_321 : vector<128x1xf32>
    %convert_element_type3A_328 = arith.fptosi %add3A_327 : vector<128x1xf32> to vector<128x1xi32>
    %swap3A_329 = arith.constant 1408 : index
    %swap3A_330 = arith.constant 0 : index
    %swap3A_331 = vector.load %arg2[%swap3A_329, %swap3A_330] : memref<2048x1xi32, #tpu.memory_space<vmem>>, vector<128x1xi32>
    tpu.vector_store %arg2[%swap3A_329, %swap3A_330], %convert_element_type3A_328 {strides = array<i32>} : memref<2048x1xi32, #tpu.memory_space<vmem>>, vector<128x1xi32>,
    %reduce_sum3A_332 = arith.constant dense<0.000000e+00> : vector<64xf32>
    %reduce_sum3A_333 = vector.multi_reduction <add>, %slice3A_313, %reduce_sum3A_332 [0] : vector<128x64xf32> to vector<64xf32>
    %broadcast_in_dim3A_334 = vector.shape_cast %reduce_sum3A_333 : vector<64xf32> to vector<1x64xf32>
    %add3A_335 = arith.addf %add3A_312, %broadcast_in_dim3A_334 : vector<1x64xf32>
    %slice3A_336 = vector.extract_strided_slice %convert_element_type3A_13 {offsets = [1536, 0], sizes = [128, 64], strides = [1, 1]} : vector<2048x64xf32> to vector<128x64xf32>
    %dot_general3A_337 = arith.constant dense<0.000000e+00> : vector<128x64xf32>
    %dot_general3A_338 = tpu.matmul %convert_element_type3A_59, %slice3A_336, %dot_general3A_337 {dimension_numbers = #tpu.dot_dimension_numbers<[1], [0], [0], [1], [0, 0, 1, 1], [], []>, transpose_lhs_hint = false} : vector<128x128xf32>, vector<128x64xf32>, vector<128x64xf32> -> vector<128x64xf32>
    %add3A_339 = vector.broadcast %add3A_335 : vector<1x64xf32> to vector<128x64xf32>
    %add3A_340 = arith.addf %dot_general3A_338, %add3A_339 : vector<128x64xf32>
    %mul3A_341 = arith.mulf %add3A_340, %slice3A_336 : vector<128x64xf32>
    %reduce_sum3A_342 = arith.constant dense<0.000000e+00> : vector<128xf32>
    %reduce_sum3A_343 = vector.multi_reduction <add>, %mul3A_341, %reduce_sum3A_342 [1] : vector<128x64xf32> to vector<128xf32>
    %broadcast_in_dim3A_344 = vector.shape_cast %reduce_sum3A_343 : vector<128xf32> to vector<128x1xf32>
    %mul3A_345 = vector.broadcast %dot_general3A_46 : vector<1x64xf32> to vector<128x64xf32>
    %mul3A_346 = arith.mulf %mul3A_345, %slice3A_336 : vector<128x64xf32>
    %reduce_sum3A_347 = arith.constant dense<0.000000e+00> : vector<128xf32>
    %reduce_sum3A_348 = vector.multi_reduction <add>, %mul3A_346, %reduce_sum3A_347 [1] : vector<128x64xf32> to vector<128xf32>
    %broadcast_in_dim3A_349 = vector.shape_cast %reduce_sum3A_348 : vector<128xf32> to vector<128x1xf32>
    %add3A_350 = arith.addf %broadcast_in_dim3A_349, %broadcast_in_dim3A_344 : vector<128x1xf32>
    %convert_element_type3A_351 = arith.fptosi %add3A_350 : vector<128x1xf32> to vector<128x1xi32>
    %swap3A_352 = arith.constant 1536 : index
    %swap3A_353 = arith.constant 0 : index
    %swap3A_354 = vector.load %arg2[%swap3A_352, %swap3A_353] : memref<2048x1xi32, #tpu.memory_space<vmem>>, vector<128x1xi32>
    tpu.vector_store %arg2[%swap3A_352, %swap3A_353], %convert_element_type3A_351 {strides = array<i32>} : memref<2048x1xi32, #tpu.memory_space<vmem>>, vector<128x1xi32>,
    %reduce_sum3A_355 = arith.constant dense<0.000000e+00> : vector<64xf32>
    %reduce_sum3A_356 = vector.multi_reduction <add>, %slice3A_336, %reduce_sum3A_355 [0] : vector<128x64xf32> to vector<64xf32>
    %broadcast_in_dim3A_357 = vector.shape_cast %reduce_sum3A_356 : vector<64xf32> to vector<1x64xf32>
    %add3A_358 = arith.addf %add3A_335, %broadcast_in_dim3A_357 : vector<1x64xf32>
    %slice3A_359 = vector.extract_strided_slice %convert_element_type3A_13 {offsets = [1664, 0], sizes = [128, 64], strides = [1, 1]} : vector<2048x64xf32> to vector<128x64xf32>
    %dot_general3A_360 = arith.constant dense<0.000000e+00> : vector<128x64xf32>
    %dot_general3A_361 = tpu.matmul %convert_element_type3A_59, %slice3A_359, %dot_general3A_360 {dimension_numbers = #tpu.dot_dimension_numbers<[1], [0], [0], [1], [0, 0, 1, 1], [], []>, transpose_lhs_hint = false} : vector<128x128xf32>, vector<128x64xf32>, vector<128x64xf32> -> vector<128x64xf32>
    %add3A_362 = vector.broadcast %add3A_358 : vector<1x64xf32> to vector<128x64xf32>
    %add3A_363 = arith.addf %dot_general3A_361, %add3A_362 : vector<128x64xf32>
    %mul3A_364 = arith.mulf %add3A_363, %slice3A_359 : vector<128x64xf32>
    %reduce_sum3A_365 = arith.constant dense<0.000000e+00> : vector<128xf32>
    %reduce_sum3A_366 = vector.multi_reduction <add>, %mul3A_364, %reduce_sum3A_365 [1] : vector<128x64xf32> to vector<128xf32>
    %broadcast_in_dim3A_367 = vector.shape_cast %reduce_sum3A_366 : vector<128xf32> to vector<128x1xf32>
    %mul3A_368 = vector.broadcast %dot_general3A_46 : vector<1x64xf32> to vector<128x64xf32>
    %mul3A_369 = arith.mulf %mul3A_368, %slice3A_359 : vector<128x64xf32>
    %reduce_sum3A_370 = arith.constant dense<0.000000e+00> : vector<128xf32>
    %reduce_sum3A_371 = vector.multi_reduction <add>, %mul3A_369, %reduce_sum3A_370 [1] : vector<128x64xf32> to vector<128xf32>
    %broadcast_in_dim3A_372 = vector.shape_cast %reduce_sum3A_371 : vector<128xf32> to vector<128x1xf32>
    %add3A_373 = arith.addf %broadcast_in_dim3A_372, %broadcast_in_dim3A_367 : vector<128x1xf32>
    %convert_element_type3A_374 = arith.fptosi %add3A_373 : vector<128x1xf32> to vector<128x1xi32>
    %swap3A_375 = arith.constant 1664 : index
    %swap3A_376 = arith.constant 0 : index
    %swap3A_377 = vector.load %arg2[%swap3A_375, %swap3A_376] : memref<2048x1xi32, #tpu.memory_space<vmem>>, vector<128x1xi32>
    tpu.vector_store %arg2[%swap3A_375, %swap3A_376], %convert_element_type3A_374 {strides = array<i32>} : memref<2048x1xi32, #tpu.memory_space<vmem>>, vector<128x1xi32>,
    %reduce_sum3A_378 = arith.constant dense<0.000000e+00> : vector<64xf32>
    %reduce_sum3A_379 = vector.multi_reduction <add>, %slice3A_359, %reduce_sum3A_378 [0] : vector<128x64xf32> to vector<64xf32>
    %broadcast_in_dim3A_380 = vector.shape_cast %reduce_sum3A_379 : vector<64xf32> to vector<1x64xf32>
    %add3A_381 = arith.addf %add3A_358, %broadcast_in_dim3A_380 : vector<1x64xf32>
    %slice3A_382 = vector.extract_strided_slice %convert_element_type3A_13 {offsets = [1792, 0], sizes = [128, 64], strides = [1, 1]} : vector<2048x64xf32> to vector<128x64xf32>
    %dot_general3A_383 = arith.constant dense<0.000000e+00> : vector<128x64xf32>
    %dot_general3A_384 = tpu.matmul %convert_element_type3A_59, %slice3A_382, %dot_general3A_383 {dimension_numbers = #tpu.dot_dimension_numbers<[1], [0], [0], [1], [0, 0, 1, 1], [], []>, transpose_lhs_hint = false} : vector<128x128xf32>, vector<128x64xf32>, vector<128x64xf32> -> vector<128x64xf32>
    %add3A_385 = vector.broadcast %add3A_381 : vector<1x64xf32> to vector<128x64xf32>
    %add3A_386 = arith.addf %dot_general3A_384, %add3A_385 : vector<128x64xf32>
    %mul3A_387 = arith.mulf %add3A_386, %slice3A_382 : vector<128x64xf32>
    %reduce_sum3A_388 = arith.constant dense<0.000000e+00> : vector<128xf32>
    %reduce_sum3A_389 = vector.multi_reduction <add>, %mul3A_387, %reduce_sum3A_388 [1] : vector<128x64xf32> to vector<128xf32>
    %broadcast_in_dim3A_390 = vector.shape_cast %reduce_sum3A_389 : vector<128xf32> to vector<128x1xf32>
    %mul3A_391 = vector.broadcast %dot_general3A_46 : vector<1x64xf32> to vector<128x64xf32>
    %mul3A_392 = arith.mulf %mul3A_391, %slice3A_382 : vector<128x64xf32>
    %reduce_sum3A_393 = arith.constant dense<0.000000e+00> : vector<128xf32>
    %reduce_sum3A_394 = vector.multi_reduction <add>, %mul3A_392, %reduce_sum3A_393 [1] : vector<128x64xf32> to vector<128xf32>
    %broadcast_in_dim3A_395 = vector.shape_cast %reduce_sum3A_394 : vector<128xf32> to vector<128x1xf32>
    %add3A_396 = arith.addf %broadcast_in_dim3A_395, %broadcast_in_dim3A_390 : vector<128x1xf32>
    %convert_element_type3A_397 = arith.fptosi %add3A_396 : vector<128x1xf32> to vector<128x1xi32>
    %swap3A_398 = arith.constant 1792 : index
    %swap3A_399 = arith.constant 0 : index
    %swap3A_400 = vector.load %arg2[%swap3A_398, %swap3A_399] : memref<2048x1xi32, #tpu.memory_space<vmem>>, vector<128x1xi32>
    tpu.vector_store %arg2[%swap3A_398, %swap3A_399], %convert_element_type3A_397 {strides = array<i32>} : memref<2048x1xi32, #tpu.memory_space<vmem>>, vector<128x1xi32>,
    %reduce_sum3A_401 = arith.constant dense<0.000000e+00> : vector<64xf32>
    %reduce_sum3A_402 = vector.multi_reduction <add>, %slice3A_382, %reduce_sum3A_401 [0] : vector<128x64xf32> to vector<64xf32>
    %broadcast_in_dim3A_403 = vector.shape_cast %reduce_sum3A_402 : vector<64xf32> to vector<1x64xf32>
    %add3A_404 = arith.addf %add3A_381, %broadcast_in_dim3A_403 : vector<1x64xf32>
    %slice3A_405 = vector.extract_strided_slice %convert_element_type3A_13 {offsets = [1920, 0], sizes = [128, 64], strides = [1, 1]} : vector<2048x64xf32> to vector<128x64xf32>
    %dot_general3A_406 = arith.constant dense<0.000000e+00> : vector<128x64xf32>
    %dot_general3A_407 = tpu.matmul %convert_element_type3A_59, %slice3A_405, %dot_general3A_406 {dimension_numbers = #tpu.dot_dimension_numbers<[1], [0], [0], [1], [0, 0, 1, 1], [], []>, transpose_lhs_hint = false} : vector<128x128xf32>, vector<128x64xf32>, vector<128x64xf32> -> vector<128x64xf32>
    %add3A_408 = vector.broadcast %add3A_404 : vector<1x64xf32> to vector<128x64xf32>
    %add3A_409 = arith.addf %dot_general3A_407, %add3A_408 : vector<128x64xf32>
    %mul3A_410 = arith.mulf %add3A_409, %slice3A_405 : vector<128x64xf32>
    %reduce_sum3A_411 = arith.constant dense<0.000000e+00> : vector<128xf32>
    %reduce_sum3A_412 = vector.multi_reduction <add>, %mul3A_410, %reduce_sum3A_411 [1] : vector<128x64xf32> to vector<128xf32>
    %broadcast_in_dim3A_413 = vector.shape_cast %reduce_sum3A_412 : vector<128xf32> to vector<128x1xf32>
    %mul3A_414 = vector.broadcast %dot_general3A_46 : vector<1x64xf32> to vector<128x64xf32>
    %mul3A_415 = arith.mulf %mul3A_414, %slice3A_405 : vector<128x64xf32>
    %reduce_sum3A_416 = arith.constant dense<0.000000e+00> : vector<128xf32>
    %reduce_sum3A_417 = vector.multi_reduction <add>, %mul3A_415, %reduce_sum3A_416 [1] : vector<128x64xf32> to vector<128xf32>
    %broadcast_in_dim3A_418 = vector.shape_cast %reduce_sum3A_417 : vector<128xf32> to vector<128x1xf32>
    %add3A_419 = arith.addf %broadcast_in_dim3A_418, %broadcast_in_dim3A_413 : vector<128x1xf32>
    %convert_element_type3A_420 = arith.fptosi %add3A_419 : vector<128x1xf32> to vector<128x1xi32>
    %swap3A_421 = arith.constant 1920 : index
    %swap3A_422 = arith.constant 0 : index
    %swap3A_423 = vector.load %arg2[%swap3A_421, %swap3A_422] : memref<2048x1xi32, #tpu.memory_space<vmem>>, vector<128x1xi32>
    tpu.vector_store %arg2[%swap3A_421, %swap3A_422], %convert_element_type3A_420 {strides = array<i32>} : memref<2048x1xi32, #tpu.memory_space<vmem>>, vector<128x1xi32>,
    return
  }
}

module attributes {stable_mosaic.version = 14 : i64} {
  func.func @_ffn_body(%arg0: i32, %arg1: memref<64xi32, #tpu.memory_space<smem>>, %arg2: memref<64xi32, #tpu.memory_space<smem>>, %arg3: memref<2112x768xf32, #tpu.memory_space<vmem>>, %arg4: memref<1x2048x768xf32, #tpu.memory_space<vmem>>, %arg5: memref<1x2048x768xf32, #tpu.memory_space<vmem>>, %arg6: memref<1x768x2048xf32, #tpu.memory_space<vmem>>, %arg7: memref<256x768xf32, #tpu.memory_space<vmem>>, %arg8: memref<256x768xf32, #tpu.memory_space<vmem>>, %arg9: memref<768x256xf32, #tpu.memory_space<vmem>>, %arg10: memref<2112x768xf32, #tpu.memory_space<vmem>>) attributes {dimension_semantics = [#tpu.dimension_semantics<arbitrary>], iteration_bounds = array<i64: 64>, scalar_prefetch = 2 : i64, scratch_operands = 0 : i64, tpu.core_type = #tpu.core_type<tc>, window_params = [{pipeline_mode = #tpu.pipeline_mode<synchronous>, transform_indices = @transform_0, window_bounds = array<i64: 2112, 768>}, {transform_indices = @transform_1, window_bounds = array<i64: 1, 2048, 768>}, {transform_indices = @transform_2, window_bounds = array<i64: 1, 2048, 768>}, {transform_indices = @transform_3, window_bounds = array<i64: 1, 768, 2048>}, {transform_indices = @transform_4, window_bounds = array<i64: 256, 768>}, {transform_indices = @transform_5, window_bounds = array<i64: 256, 768>}, {transform_indices = @transform_6, window_bounds = array<i64: 768, 256>}, {pipeline_mode = #tpu.pipeline_mode<synchronous>, transform_indices = @transform_7, window_bounds = array<i64: 2112, 768>}]} {
    %eq3A = arith.constant 0 : i32
    %eq3A_0 = arith.cmpi eq, %arg0, %eq3A : i32
    %convert_element_type3A = arith.extui %eq3A_0 : i1 to i32
    %cond3A = arith.constant 0 : i32
    %cond3A_1 = arith.cmpi ne, %convert_element_type3A, %cond3A : i32
    scf.if %cond3A_1 {
      %broadcast_in_dim3A = arith.constant 0.000000e+00 : f32
      %broadcast_in_dim3A_85 = vector.broadcast %broadcast_in_dim3A : f32 to vector<2112x768xf32>
      %swap3A = arith.constant 0 : index
      %swap3A_86 = arith.constant 0 : index
      %swap3A_87 = vector.load %arg10[%swap3A, %swap3A_86] : memref<2112x768xf32, #tpu.memory_space<vmem>>, vector<2112x768xf32>
      tpu.vector_store %arg10[%swap3A, %swap3A_86], %broadcast_in_dim3A_85 {strides = array<i32>} : memref<2112x768xf32, #tpu.memory_space<vmem>>, vector<2112x768xf32>,
    } else {
    }
    %jit3A = arith.constant 8 : i32
    %eq3A_2 = arith.constant 0 : i32
    %eq3A_3 = arith.cmpi eq, %jit3A, %eq3A_2 : i32
    %jit3A_4 = arith.constant 1 : i32
    %select_n3A = arith.select %eq3A_3, %jit3A_4, %jit3A : i32
    %rem3A = arith.remsi %arg0, %select_n3A : i32
    %ne3A = arith.constant 0 : i32
    %ne3A_5 = arith.cmpi ne, %rem3A, %ne3A : i32
    %lt3A = arith.constant 0 : i32
    %lt3A_6 = arith.cmpi slt, %rem3A, %lt3A : i32
    %lt3A_7 = arith.constant 0 : i32
    %lt3A_8 = arith.cmpi slt, %select_n3A, %lt3A_7 : i32
    %ne3A_9 = arith.xori %lt3A_6, %lt3A_8 : i1
    %and3A = arith.andi %ne3A_9, %ne3A_5 : i1
    %add3A = arith.addi %rem3A, %select_n3A : i32
    %select_n3A_10 = arith.select %and3A, %add3A, %rem3A : i32
    %eq3A_11 = arith.constant 4 : i32
    %eq3A_12 = arith.cmpi eq, %select_n3A_10, %eq3A_11 : i32
    %convert_element_type3A_13 = arith.extui %eq3A_12 : i1 to i32
    %cond3A_14 = arith.constant 0 : i32
    %cond3A_15 = arith.cmpi ne, %convert_element_type3A_13, %cond3A_14 : i32
    scf.if %cond3A_15 {
      %get3A_85 = arith.constant 0 : index
      %get3A_86 = arith.constant 0 : index
      %get3A_87 = vector.load %arg3[%get3A_85, %get3A_86] : memref<2112x768xf32, #tpu.memory_space<vmem>>, vector<512x768xf32>
      %get3A_88 = arith.constant 0 : index
      %get3A_89 = arith.constant 0 : index
      %get3A_90 = vector.load %arg7[%get3A_88, %get3A_89] : memref<256x768xf32, #tpu.memory_space<vmem>>, vector<256x768xf32>
      %dot_general3A = arith.constant dense<0.000000e+00> : vector<512x256xf32>
      %dot_general3A_91 = tpu.matmul %get3A_87, %get3A_90, %dot_general3A {dimension_numbers = #tpu.dot_dimension_numbers<[1], [1], [0], [0], [0, 0, 1, 0], [], []>, transpose_lhs_hint = false} : vector<512x768xf32>, vector<256x768xf32>, vector<512x256xf32> -> vector<512x256xf32>
      %get3A_92 = arith.constant 0 : index
      %get3A_93 = arith.constant 0 : index
      %get3A_94 = vector.load %arg8[%get3A_92, %get3A_93] : memref<256x768xf32, #tpu.memory_space<vmem>>, vector<256x768xf32>
      %dot_general3A_95 = arith.constant dense<0.000000e+00> : vector<512x256xf32>
      %dot_general3A_96 = tpu.matmul %get3A_87, %get3A_94, %dot_general3A_95 {dimension_numbers = #tpu.dot_dimension_numbers<[1], [1], [0], [0], [0, 0, 1, 0], [], []>, transpose_lhs_hint = false} : vector<512x768xf32>, vector<256x768xf32>, vector<512x256xf32> -> vector<512x256xf32>
      %neg3A = arith.constant 0.000000e+00 : f32
      %neg3A_97 = vector.broadcast %neg3A : f32 to vector<512x256xf32>
      %neg3A_98 = arith.subf %neg3A_97, %dot_general3A_91 : vector<512x256xf32>
      %exp3A = math.exp %neg3A_98 : vector<512x256xf32>
      %add3A_99 = arith.constant 1.000000e+00 : f32
      %add3A_100 = vector.broadcast %add3A_99 : f32 to vector<512x256xf32>
      %add3A_101 = arith.addf %add3A_100, %exp3A : vector<512x256xf32>
      %div3A_102 = arith.constant 1.000000e+00 : f32
      %div3A_103 = vector.broadcast %div3A_102 : f32 to vector<512x256xf32>
      %div3A_104 = arith.divf %div3A_103, %add3A_101 : vector<512x256xf32>
      %mul3A_105 = arith.mulf %dot_general3A_91, %div3A_104 : vector<512x256xf32>
      %mul3A_106 = arith.mulf %mul3A_105, %dot_general3A_96 : vector<512x256xf32>
      %get3A_107 = arith.constant 0 : index
      %get3A_108 = arith.constant 0 : index
      %get3A_109 = vector.load %arg9[%get3A_107, %get3A_108] : memref<768x256xf32, #tpu.memory_space<vmem>>, vector<768x256xf32>
      %dot_general3A_110 = arith.constant dense<0.000000e+00> : vector<512x768xf32>
      %dot_general3A_111 = tpu.matmul %mul3A_106, %get3A_109, %dot_general3A_110 {dimension_numbers = #tpu.dot_dimension_numbers<[1], [1], [0], [0], [0, 0, 1, 0], [], []>, transpose_lhs_hint = false} : vector<512x256xf32>, vector<768x256xf32>, vector<512x768xf32> -> vector<512x768xf32>
      %get3A_112 = arith.constant 0 : index
      %get3A_113 = arith.constant 0 : index
      %get3A_114 = vector.load %arg10[%get3A_112, %get3A_113] : memref<2112x768xf32, #tpu.memory_space<vmem>>, vector<512x768xf32>
      %add3A_115 = arith.addf %get3A_114, %dot_general3A_111 : vector<512x768xf32>
      %swap3A = arith.constant 0 : index
      %swap3A_116 = arith.constant 0 : index
      %swap3A_117 = vector.load %arg10[%swap3A, %swap3A_116] : memref<2112x768xf32, #tpu.memory_space<vmem>>, vector<512x768xf32>
      tpu.vector_store %arg10[%swap3A, %swap3A_116], %add3A_115 {strides = array<i32>} : memref<2112x768xf32, #tpu.memory_space<vmem>>, vector<512x768xf32>,
      %get3A_118 = arith.constant 512 : index
      %get3A_119 = arith.constant 0 : index
      %get3A_120 = vector.load %arg3[%get3A_118, %get3A_119] : memref<2112x768xf32, #tpu.memory_space<vmem>>, vector<512x768xf32>
      %get3A_121 = arith.constant 0 : index
      %get3A_122 = arith.constant 0 : index
      %get3A_123 = vector.load %arg7[%get3A_121, %get3A_122] : memref<256x768xf32, #tpu.memory_space<vmem>>, vector<256x768xf32>
      %dot_general3A_124 = arith.constant dense<0.000000e+00> : vector<512x256xf32>
      %dot_general3A_125 = tpu.matmul %get3A_120, %get3A_123, %dot_general3A_124 {dimension_numbers = #tpu.dot_dimension_numbers<[1], [1], [0], [0], [0, 0, 1, 0], [], []>, transpose_lhs_hint = false} : vector<512x768xf32>, vector<256x768xf32>, vector<512x256xf32> -> vector<512x256xf32>
      %get3A_126 = arith.constant 0 : index
      %get3A_127 = arith.constant 0 : index
      %get3A_128 = vector.load %arg8[%get3A_126, %get3A_127] : memref<256x768xf32, #tpu.memory_space<vmem>>, vector<256x768xf32>
      %dot_general3A_129 = arith.constant dense<0.000000e+00> : vector<512x256xf32>
      %dot_general3A_130 = tpu.matmul %get3A_120, %get3A_128, %dot_general3A_129 {dimension_numbers = #tpu.dot_dimension_numbers<[1], [1], [0], [0], [0, 0, 1, 0], [], []>, transpose_lhs_hint = false} : vector<512x768xf32>, vector<256x768xf32>, vector<512x256xf32> -> vector<512x256xf32>
      %neg3A_131 = arith.constant 0.000000e+00 : f32
      %neg3A_132 = vector.broadcast %neg3A_131 : f32 to vector<512x256xf32>
      %neg3A_133 = arith.subf %neg3A_132, %dot_general3A_125 : vector<512x256xf32>
      %exp3A_134 = math.exp %neg3A_133 : vector<512x256xf32>
      %add3A_135 = arith.constant 1.000000e+00 : f32
      %add3A_136 = vector.broadcast %add3A_135 : f32 to vector<512x256xf32>
      %add3A_137 = arith.addf %add3A_136, %exp3A_134 : vector<512x256xf32>
      %div3A_138 = arith.constant 1.000000e+00 : f32
      %div3A_139 = vector.broadcast %div3A_138 : f32 to vector<512x256xf32>
      %div3A_140 = arith.divf %div3A_139, %add3A_137 : vector<512x256xf32>
      %mul3A_141 = arith.mulf %dot_general3A_125, %div3A_140 : vector<512x256xf32>
      %mul3A_142 = arith.mulf %mul3A_141, %dot_general3A_130 : vector<512x256xf32>
      %get3A_143 = arith.constant 0 : index
      %get3A_144 = arith.constant 0 : index
      %get3A_145 = vector.load %arg9[%get3A_143, %get3A_144] : memref<768x256xf32, #tpu.memory_space<vmem>>, vector<768x256xf32>
      %dot_general3A_146 = arith.constant dense<0.000000e+00> : vector<512x768xf32>
      %dot_general3A_147 = tpu.matmul %mul3A_142, %get3A_145, %dot_general3A_146 {dimension_numbers = #tpu.dot_dimension_numbers<[1], [1], [0], [0], [0, 0, 1, 0], [], []>, transpose_lhs_hint = false} : vector<512x256xf32>, vector<768x256xf32>, vector<512x768xf32> -> vector<512x768xf32>
      %get3A_148 = arith.constant 512 : index
      %get3A_149 = arith.constant 0 : index
      %get3A_150 = vector.load %arg10[%get3A_148, %get3A_149] : memref<2112x768xf32, #tpu.memory_space<vmem>>, vector<512x768xf32>
      %add3A_151 = arith.addf %get3A_150, %dot_general3A_147 : vector<512x768xf32>
      %swap3A_152 = arith.constant 512 : index
      %swap3A_153 = arith.constant 0 : index
      %swap3A_154 = vector.load %arg10[%swap3A_152, %swap3A_153] : memref<2112x768xf32, #tpu.memory_space<vmem>>, vector<512x768xf32>
      tpu.vector_store %arg10[%swap3A_152, %swap3A_153], %add3A_151 {strides = array<i32>} : memref<2112x768xf32, #tpu.memory_space<vmem>>, vector<512x768xf32>,
      %get3A_155 = arith.constant 1024 : index
      %get3A_156 = arith.constant 0 : index
      %get3A_157 = vector.load %arg3[%get3A_155, %get3A_156] : memref<2112x768xf32, #tpu.memory_space<vmem>>, vector<512x768xf32>
      %get3A_158 = arith.constant 0 : index
      %get3A_159 = arith.constant 0 : index
      %get3A_160 = vector.load %arg7[%get3A_158, %get3A_159] : memref<256x768xf32, #tpu.memory_space<vmem>>, vector<256x768xf32>
      %dot_general3A_161 = arith.constant dense<0.000000e+00> : vector<512x256xf32>
      %dot_general3A_162 = tpu.matmul %get3A_157, %get3A_160, %dot_general3A_161 {dimension_numbers = #tpu.dot_dimension_numbers<[1], [1], [0], [0], [0, 0, 1, 0], [], []>, transpose_lhs_hint = false} : vector<512x768xf32>, vector<256x768xf32>, vector<512x256xf32> -> vector<512x256xf32>
      %get3A_163 = arith.constant 0 : index
      %get3A_164 = arith.constant 0 : index
      %get3A_165 = vector.load %arg8[%get3A_163, %get3A_164] : memref<256x768xf32, #tpu.memory_space<vmem>>, vector<256x768xf32>
      %dot_general3A_166 = arith.constant dense<0.000000e+00> : vector<512x256xf32>
      %dot_general3A_167 = tpu.matmul %get3A_157, %get3A_165, %dot_general3A_166 {dimension_numbers = #tpu.dot_dimension_numbers<[1], [1], [0], [0], [0, 0, 1, 0], [], []>, transpose_lhs_hint = false} : vector<512x768xf32>, vector<256x768xf32>, vector<512x256xf32> -> vector<512x256xf32>
      %neg3A_168 = arith.constant 0.000000e+00 : f32
      %neg3A_169 = vector.broadcast %neg3A_168 : f32 to vector<512x256xf32>
      %neg3A_170 = arith.subf %neg3A_169, %dot_general3A_162 : vector<512x256xf32>
      %exp3A_171 = math.exp %neg3A_170 : vector<512x256xf32>
      %add3A_172 = arith.constant 1.000000e+00 : f32
      %add3A_173 = vector.broadcast %add3A_172 : f32 to vector<512x256xf32>
      %add3A_174 = arith.addf %add3A_173, %exp3A_171 : vector<512x256xf32>
      %div3A_175 = arith.constant 1.000000e+00 : f32
      %div3A_176 = vector.broadcast %div3A_175 : f32 to vector<512x256xf32>
      %div3A_177 = arith.divf %div3A_176, %add3A_174 : vector<512x256xf32>
      %mul3A_178 = arith.mulf %dot_general3A_162, %div3A_177 : vector<512x256xf32>
      %mul3A_179 = arith.mulf %mul3A_178, %dot_general3A_167 : vector<512x256xf32>
      %get3A_180 = arith.constant 0 : index
      %get3A_181 = arith.constant 0 : index
      %get3A_182 = vector.load %arg9[%get3A_180, %get3A_181] : memref<768x256xf32, #tpu.memory_space<vmem>>, vector<768x256xf32>
      %dot_general3A_183 = arith.constant dense<0.000000e+00> : vector<512x768xf32>
      %dot_general3A_184 = tpu.matmul %mul3A_179, %get3A_182, %dot_general3A_183 {dimension_numbers = #tpu.dot_dimension_numbers<[1], [1], [0], [0], [0, 0, 1, 0], [], []>, transpose_lhs_hint = false} : vector<512x256xf32>, vector<768x256xf32>, vector<512x768xf32> -> vector<512x768xf32>
      %get3A_185 = arith.constant 1024 : index
      %get3A_186 = arith.constant 0 : index
      %get3A_187 = vector.load %arg10[%get3A_185, %get3A_186] : memref<2112x768xf32, #tpu.memory_space<vmem>>, vector<512x768xf32>
      %add3A_188 = arith.addf %get3A_187, %dot_general3A_184 : vector<512x768xf32>
      %swap3A_189 = arith.constant 1024 : index
      %swap3A_190 = arith.constant 0 : index
      %swap3A_191 = vector.load %arg10[%swap3A_189, %swap3A_190] : memref<2112x768xf32, #tpu.memory_space<vmem>>, vector<512x768xf32>
      tpu.vector_store %arg10[%swap3A_189, %swap3A_190], %add3A_188 {strides = array<i32>} : memref<2112x768xf32, #tpu.memory_space<vmem>>, vector<512x768xf32>,
      %get3A_192 = arith.constant 1536 : index
      %get3A_193 = arith.constant 0 : index
      %get3A_194 = vector.load %arg3[%get3A_192, %get3A_193] : memref<2112x768xf32, #tpu.memory_space<vmem>>, vector<512x768xf32>
      %get3A_195 = arith.constant 0 : index
      %get3A_196 = arith.constant 0 : index
      %get3A_197 = vector.load %arg7[%get3A_195, %get3A_196] : memref<256x768xf32, #tpu.memory_space<vmem>>, vector<256x768xf32>
      %dot_general3A_198 = arith.constant dense<0.000000e+00> : vector<512x256xf32>
      %dot_general3A_199 = tpu.matmul %get3A_194, %get3A_197, %dot_general3A_198 {dimension_numbers = #tpu.dot_dimension_numbers<[1], [1], [0], [0], [0, 0, 1, 0], [], []>, transpose_lhs_hint = false} : vector<512x768xf32>, vector<256x768xf32>, vector<512x256xf32> -> vector<512x256xf32>
      %get3A_200 = arith.constant 0 : index
      %get3A_201 = arith.constant 0 : index
      %get3A_202 = vector.load %arg8[%get3A_200, %get3A_201] : memref<256x768xf32, #tpu.memory_space<vmem>>, vector<256x768xf32>
      %dot_general3A_203 = arith.constant dense<0.000000e+00> : vector<512x256xf32>
      %dot_general3A_204 = tpu.matmul %get3A_194, %get3A_202, %dot_general3A_203 {dimension_numbers = #tpu.dot_dimension_numbers<[1], [1], [0], [0], [0, 0, 1, 0], [], []>, transpose_lhs_hint = false} : vector<512x768xf32>, vector<256x768xf32>, vector<512x256xf32> -> vector<512x256xf32>
      %neg3A_205 = arith.constant 0.000000e+00 : f32
      %neg3A_206 = vector.broadcast %neg3A_205 : f32 to vector<512x256xf32>
      %neg3A_207 = arith.subf %neg3A_206, %dot_general3A_199 : vector<512x256xf32>
      %exp3A_208 = math.exp %neg3A_207 : vector<512x256xf32>
      %add3A_209 = arith.constant 1.000000e+00 : f32
      %add3A_210 = vector.broadcast %add3A_209 : f32 to vector<512x256xf32>
      %add3A_211 = arith.addf %add3A_210, %exp3A_208 : vector<512x256xf32>
      %div3A_212 = arith.constant 1.000000e+00 : f32
      %div3A_213 = vector.broadcast %div3A_212 : f32 to vector<512x256xf32>
      %div3A_214 = arith.divf %div3A_213, %add3A_211 : vector<512x256xf32>
      %mul3A_215 = arith.mulf %dot_general3A_199, %div3A_214 : vector<512x256xf32>
      %mul3A_216 = arith.mulf %mul3A_215, %dot_general3A_204 : vector<512x256xf32>
      %get3A_217 = arith.constant 0 : index
      %get3A_218 = arith.constant 0 : index
      %get3A_219 = vector.load %arg9[%get3A_217, %get3A_218] : memref<768x256xf32, #tpu.memory_space<vmem>>, vector<768x256xf32>
      %dot_general3A_220 = arith.constant dense<0.000000e+00> : vector<512x768xf32>
      %dot_general3A_221 = tpu.matmul %mul3A_216, %get3A_219, %dot_general3A_220 {dimension_numbers = #tpu.dot_dimension_numbers<[1], [1], [0], [0], [0, 0, 1, 0], [], []>, transpose_lhs_hint = false} : vector<512x256xf32>, vector<768x256xf32>, vector<512x768xf32> -> vector<512x768xf32>
      %get3A_222 = arith.constant 1536 : index
      %get3A_223 = arith.constant 0 : index
      %get3A_224 = vector.load %arg10[%get3A_222, %get3A_223] : memref<2112x768xf32, #tpu.memory_space<vmem>>, vector<512x768xf32>
      %add3A_225 = arith.addf %get3A_224, %dot_general3A_221 : vector<512x768xf32>
      %swap3A_226 = arith.constant 1536 : index
      %swap3A_227 = arith.constant 0 : index
      %swap3A_228 = vector.load %arg10[%swap3A_226, %swap3A_227] : memref<2112x768xf32, #tpu.memory_space<vmem>>, vector<512x768xf32>
      tpu.vector_store %arg10[%swap3A_226, %swap3A_227], %add3A_225 {strides = array<i32>} : memref<2112x768xf32, #tpu.memory_space<vmem>>, vector<512x768xf32>,
    } else {
    }
    %get3A = arith.index_cast %arg0 : i32 to index
    %get3A_16 = memref.load %arg1[%get3A] : memref<64xi32, #tpu.memory_space<smem>>
    %get3A_17 = arith.index_cast %arg0 : i32 to index
    %get3A_18 = memref.load %arg2[%get3A_17] : memref<64xi32, #tpu.memory_space<smem>>
    %add3A_19 = arith.addi %get3A_16, %get3A_18 : i32
    %jit3A_20 = arith.constant 8 : i32
    %div3A = arith.divsi %get3A_16, %jit3A_20 : i32
    %sign3A = arith.constant 0 : i32
    %sign3A_21 = arith.cmpi sgt, %get3A_16, %sign3A : i32
    %sign3A_22 = arith.extui %sign3A_21 : i1 to i32
    %sign3A_23 = arith.constant 0 : i32
    %sign3A_24 = arith.cmpi slt, %get3A_16, %sign3A_23 : i32
    %sign3A_25 = arith.extui %sign3A_24 : i1 to i32
    %sign3A_26 = arith.subi %sign3A_22, %sign3A_25 : i32
    %sign3A_27 = arith.constant 0 : i32
    %sign3A_28 = arith.cmpi sgt, %jit3A_20, %sign3A_27 : i32
    %sign3A_29 = arith.extui %sign3A_28 : i1 to i32
    %sign3A_30 = arith.constant 0 : i32
    %sign3A_31 = arith.cmpi slt, %jit3A_20, %sign3A_30 : i32
    %sign3A_32 = arith.extui %sign3A_31 : i1 to i32
    %sign3A_33 = arith.subi %sign3A_29, %sign3A_32 : i32
    %ne3A_34 = arith.cmpi ne, %sign3A_26, %sign3A_33 : i32
    %rem3A_35 = arith.remsi %get3A_16, %jit3A_20 : i32
    %ne3A_36 = arith.constant 0 : i32
    %ne3A_37 = arith.cmpi ne, %rem3A_35, %ne3A_36 : i32
    %and3A_38 = arith.andi %ne3A_34, %ne3A_37 : i1
    %sub3A = arith.constant 1 : i32
    %sub3A_39 = arith.subi %div3A, %sub3A : i32
    %select_n3A_40 = arith.select %and3A_38, %sub3A_39, %div3A : i32
    %mul3A = arith.constant 8 : i32
    %mul3A_41 = arith.muli %select_n3A_40, %mul3A : i32
    %gt3A = arith.constant 0 : i32
    %gt3A_42 = arith.cmpi sgt, %get3A_18, %gt3A : i32
    %sub3A_43 = arith.subi %add3A_19, %mul3A_41 : i32
    %add3A_44 = arith.constant 64 : i32
    %add3A_45 = arith.addi %sub3A_43, %add3A_44 : i32
    %sub3A_46 = arith.constant 1 : i32
    %sub3A_47 = arith.subi %add3A_45, %sub3A_46 : i32
    %jit3A_48 = arith.constant 64 : i32
    %div3A_49 = arith.divsi %sub3A_47, %jit3A_48 : i32
    %sign3A_50 = arith.constant 0 : i32
    %sign3A_51 = arith.cmpi sgt, %sub3A_47, %sign3A_50 : i32
    %sign3A_52 = arith.extui %sign3A_51 : i1 to i32
    %sign3A_53 = arith.constant 0 : i32
    %sign3A_54 = arith.cmpi slt, %sub3A_47, %sign3A_53 : i32
    %sign3A_55 = arith.extui %sign3A_54 : i1 to i32
    %sign3A_56 = arith.subi %sign3A_52, %sign3A_55 : i32
    %sign3A_57 = arith.constant 0 : i32
    %sign3A_58 = arith.cmpi sgt, %jit3A_48, %sign3A_57 : i32
    %sign3A_59 = arith.extui %sign3A_58 : i1 to i32
    %sign3A_60 = arith.constant 0 : i32
    %sign3A_61 = arith.cmpi slt, %jit3A_48, %sign3A_60 : i32
    %sign3A_62 = arith.extui %sign3A_61 : i1 to i32
    %sign3A_63 = arith.subi %sign3A_59, %sign3A_62 : i32
    %ne3A_64 = arith.cmpi ne, %sign3A_56, %sign3A_63 : i32
    %rem3A_65 = arith.remsi %sub3A_47, %jit3A_48 : i32
    %ne3A_66 = arith.constant 0 : i32
    %ne3A_67 = arith.cmpi ne, %rem3A_65, %ne3A_66 : i32
    %and3A_68 = arith.andi %ne3A_64, %ne3A_67 : i1
    %sub3A_69 = arith.constant 1 : i32
    %sub3A_70 = arith.subi %div3A_49, %sub3A_69 : i32
    %select_n3A_71 = arith.select %and3A_68, %sub3A_70, %div3A_49 : i32
    %select_n3A_72 = arith.constant 0 : i32
    %select_n3A_73 = arith.select %gt3A_42, %select_n3A_71, %select_n3A_72 : i32
    %while3A = arith.constant 0 : i32
    %while3A_74 = arith.constant 0 : i32
    %while3A_75 = arith.subi %select_n3A_73, %while3A : i32
    %while3A_76 = arith.addi %while3A, %while3A_75 : i32
    %while3A_77 = arith.constant 1 : i32
    %while3A_78 = arith.divsi %while3A_75, %while3A_77 : i32
    %while3A_79 = arith.muli %while3A_78, %while3A_77 : i32
    %while3A_80 = arith.addi %while3A, %while3A_79 : i32
    %while3A_81 = arith.constant 1 : i32
    %while3A_82 = scf.for %while3A_85 = %while3A to %while3A_80 step %while3A_81 iter_args(%while3A_86 = %while3A_74) -> (i32)  : i32 {
      %mul3A_87 = arith.constant 64 : i32
      %mul3A_88 = arith.muli %while3A_85, %mul3A_87 : i32
      %add3A_89 = arith.addi %mul3A_41, %mul3A_88 : i32
      %multiple_of3A = tpu.assume_multiple %add3A_89, 8 : i32
      %get3A_90 = arith.index_cast %multiple_of3A : i32 to index
      %get3A_91 = arith.constant 0 : index
      %get3A_92 = vector.load %arg3[%get3A_90, %get3A_91] : memref<2112x768xf32, #tpu.memory_space<vmem>>, vector<64x768xf32>
      %iota3A = tpu.iota {dimensions = array<i32: 0>} : vector<64x1xi32>
      %add3A_93 = vector.broadcast %multiple_of3A : i32 to vector<64x1xi32>
      %add3A_94 = arith.addi %add3A_93, %iota3A : vector<64x1xi32>
      %ge3A = vector.broadcast %get3A_16 : i32 to vector<64x1xi32>
      %ge3A_95 = arith.cmpi sge, %add3A_94, %ge3A : vector<64x1xi32>
      %lt3A_96 = vector.broadcast %add3A_19 : i32 to vector<64x1xi32>
      %lt3A_97 = arith.cmpi slt, %add3A_94, %lt3A_96 : vector<64x1xi32>
      %and3A_98 = arith.andi %ge3A_95, %lt3A_97 : vector<64x1xi1>
      %jit3A_99 = arith.constant 0.000000e+00 : f32
      %broadcast_in_dim3A = vector.shape_cast %and3A_98 : vector<64x1xi1> to vector<64x1xi1>
      %broadcast_in_dim3A_100 = vector.broadcast %broadcast_in_dim3A : vector<64x1xi1> to vector<64x768xi1>
      %broadcast_in_dim3A_101 = vector.broadcast %jit3A_99 : f32 to vector<64x768xf32>
      %select_n3A_102 = arith.select %broadcast_in_dim3A_100, %get3A_92, %broadcast_in_dim3A_101 : vector<64x768xi1>, vector<64x768xf32>
      %get3A_103 = arith.constant 0 : index
      %get3A_104 = arith.constant 0 : index
      %get3A_105 = arith.constant 0 : index
      %get3A_106 = vector.load %arg4[%get3A_103, %get3A_104, %get3A_105] : memref<1x2048x768xf32, #tpu.memory_space<vmem>>, vector<1x2048x768xf32>
      %get3A_107 = vector.shape_cast %get3A_106 : vector<1x2048x768xf32> to vector<2048x768xf32>
      %get3A_108 = arith.constant 0 : index
      %get3A_109 = arith.constant 0 : index
      %get3A_110 = arith.constant 0 : index
      %get3A_111 = vector.load %arg5[%get3A_108, %get3A_109, %get3A_110] : memref<1x2048x768xf32, #tpu.memory_space<vmem>>, vector<1x2048x768xf32>
      %get3A_112 = vector.shape_cast %get3A_111 : vector<1x2048x768xf32> to vector<2048x768xf32>
      %get3A_113 = arith.constant 0 : index
      %get3A_114 = arith.constant 0 : index
      %get3A_115 = arith.constant 0 : index
      %get3A_116 = vector.load %arg6[%get3A_113, %get3A_114, %get3A_115] : memref<1x768x2048xf32, #tpu.memory_space<vmem>>, vector<1x768x2048xf32>
      %get3A_117 = vector.shape_cast %get3A_116 : vector<1x768x2048xf32> to vector<768x2048xf32>
      %dot_general3A = arith.constant dense<0.000000e+00> : vector<64x2048xf32>
      %dot_general3A_118 = tpu.matmul %select_n3A_102, %get3A_107, %dot_general3A {dimension_numbers = #tpu.dot_dimension_numbers<[1], [1], [0], [0], [0, 0, 1, 0], [], []>, transpose_lhs_hint = false} : vector<64x768xf32>, vector<2048x768xf32>, vector<64x2048xf32> -> vector<64x2048xf32>
      %dot_general3A_119 = arith.constant dense<0.000000e+00> : vector<64x2048xf32>
      %dot_general3A_120 = tpu.matmul %select_n3A_102, %get3A_112, %dot_general3A_119 {dimension_numbers = #tpu.dot_dimension_numbers<[1], [1], [0], [0], [0, 0, 1, 0], [], []>, transpose_lhs_hint = false} : vector<64x768xf32>, vector<2048x768xf32>, vector<64x2048xf32> -> vector<64x2048xf32>
      %neg3A = arith.constant 0.000000e+00 : f32
      %neg3A_121 = vector.broadcast %neg3A : f32 to vector<64x2048xf32>
      %neg3A_122 = arith.subf %neg3A_121, %dot_general3A_118 : vector<64x2048xf32>
      %exp3A = math.exp %neg3A_122 : vector<64x2048xf32>
      %add3A_123 = arith.constant 1.000000e+00 : f32
      %add3A_124 = vector.broadcast %add3A_123 : f32 to vector<64x2048xf32>
      %add3A_125 = arith.addf %add3A_124, %exp3A : vector<64x2048xf32>
      %div3A_126 = arith.constant 1.000000e+00 : f32
      %div3A_127 = vector.broadcast %div3A_126 : f32 to vector<64x2048xf32>
      %div3A_128 = arith.divf %div3A_127, %add3A_125 : vector<64x2048xf32>
      %mul3A_129 = arith.mulf %dot_general3A_118, %div3A_128 : vector<64x2048xf32>
      %mul3A_130 = arith.mulf %mul3A_129, %dot_general3A_120 : vector<64x2048xf32>
      %dot_general3A_131 = arith.constant dense<0.000000e+00> : vector<64x768xf32>
      %dot_general3A_132 = tpu.matmul %mul3A_130, %get3A_117, %dot_general3A_131 {dimension_numbers = #tpu.dot_dimension_numbers<[1], [1], [0], [0], [0, 0, 1, 0], [], []>, transpose_lhs_hint = false} : vector<64x2048xf32>, vector<768x2048xf32>, vector<64x768xf32> -> vector<64x768xf32>
      %get3A_133 = arith.index_cast %multiple_of3A : i32 to index
      %get3A_134 = arith.constant 0 : index
      %get3A_135 = vector.load %arg10[%get3A_133, %get3A_134] : memref<2112x768xf32, #tpu.memory_space<vmem>>, vector<64x768xf32>
      %add3A_136 = arith.addf %get3A_135, %dot_general3A_132 : vector<64x768xf32>
      %swap3A = arith.index_cast %multiple_of3A : i32 to index
      %swap3A_137 = arith.constant 0 : index
      %swap3A_138 = vector.load %arg10[%swap3A, %swap3A_137] : memref<2112x768xf32, #tpu.memory_space<vmem>>, vector<64x768xf32>
      tpu.vector_store %arg10[%swap3A, %swap3A_137], %add3A_136 {strides = array<i32>} : memref<2112x768xf32, #tpu.memory_space<vmem>>, vector<64x768xf32>,
      %while3A_139 = arith.constant 0 : i32
      scf.yield %while3A_139 : i32
    }
    %while3A_83 = arith.constant 1 : i32
    %while3A_84 = scf.for %while3A_85 = %while3A_80 to %while3A_76 step %while3A_83 iter_args(%while3A_86 = %while3A_82) -> (i32)  : i32 {
      %mul3A_87 = arith.constant 64 : i32
      %mul3A_88 = arith.muli %while3A_85, %mul3A_87 : i32
      %add3A_89 = arith.addi %mul3A_41, %mul3A_88 : i32
      %multiple_of3A = tpu.assume_multiple %add3A_89, 8 : i32
      %get3A_90 = arith.index_cast %multiple_of3A : i32 to index
      %get3A_91 = arith.constant 0 : index
      %get3A_92 = vector.load %arg3[%get3A_90, %get3A_91] : memref<2112x768xf32, #tpu.memory_space<vmem>>, vector<64x768xf32>
      %iota3A = tpu.iota {dimensions = array<i32: 0>} : vector<64x1xi32>
      %add3A_93 = vector.broadcast %multiple_of3A : i32 to vector<64x1xi32>
      %add3A_94 = arith.addi %add3A_93, %iota3A : vector<64x1xi32>
      %ge3A = vector.broadcast %get3A_16 : i32 to vector<64x1xi32>
      %ge3A_95 = arith.cmpi sge, %add3A_94, %ge3A : vector<64x1xi32>
      %lt3A_96 = vector.broadcast %add3A_19 : i32 to vector<64x1xi32>
      %lt3A_97 = arith.cmpi slt, %add3A_94, %lt3A_96 : vector<64x1xi32>
      %and3A_98 = arith.andi %ge3A_95, %lt3A_97 : vector<64x1xi1>
      %jit3A_99 = arith.constant 0.000000e+00 : f32
      %broadcast_in_dim3A = vector.shape_cast %and3A_98 : vector<64x1xi1> to vector<64x1xi1>
      %broadcast_in_dim3A_100 = vector.broadcast %broadcast_in_dim3A : vector<64x1xi1> to vector<64x768xi1>
      %broadcast_in_dim3A_101 = vector.broadcast %jit3A_99 : f32 to vector<64x768xf32>
      %select_n3A_102 = arith.select %broadcast_in_dim3A_100, %get3A_92, %broadcast_in_dim3A_101 : vector<64x768xi1>, vector<64x768xf32>
      %get3A_103 = arith.constant 0 : index
      %get3A_104 = arith.constant 0 : index
      %get3A_105 = arith.constant 0 : index
      %get3A_106 = vector.load %arg4[%get3A_103, %get3A_104, %get3A_105] : memref<1x2048x768xf32, #tpu.memory_space<vmem>>, vector<1x2048x768xf32>
      %get3A_107 = vector.shape_cast %get3A_106 : vector<1x2048x768xf32> to vector<2048x768xf32>
      %get3A_108 = arith.constant 0 : index
      %get3A_109 = arith.constant 0 : index
      %get3A_110 = arith.constant 0 : index
      %get3A_111 = vector.load %arg5[%get3A_108, %get3A_109, %get3A_110] : memref<1x2048x768xf32, #tpu.memory_space<vmem>>, vector<1x2048x768xf32>
      %get3A_112 = vector.shape_cast %get3A_111 : vector<1x2048x768xf32> to vector<2048x768xf32>
      %get3A_113 = arith.constant 0 : index
      %get3A_114 = arith.constant 0 : index
      %get3A_115 = arith.constant 0 : index
      %get3A_116 = vector.load %arg6[%get3A_113, %get3A_114, %get3A_115] : memref<1x768x2048xf32, #tpu.memory_space<vmem>>, vector<1x768x2048xf32>
      %get3A_117 = vector.shape_cast %get3A_116 : vector<1x768x2048xf32> to vector<768x2048xf32>
      %dot_general3A = arith.constant dense<0.000000e+00> : vector<64x2048xf32>
      %dot_general3A_118 = tpu.matmul %select_n3A_102, %get3A_107, %dot_general3A {dimension_numbers = #tpu.dot_dimension_numbers<[1], [1], [0], [0], [0, 0, 1, 0], [], []>, transpose_lhs_hint = false} : vector<64x768xf32>, vector<2048x768xf32>, vector<64x2048xf32> -> vector<64x2048xf32>
      %dot_general3A_119 = arith.constant dense<0.000000e+00> : vector<64x2048xf32>
      %dot_general3A_120 = tpu.matmul %select_n3A_102, %get3A_112, %dot_general3A_119 {dimension_numbers = #tpu.dot_dimension_numbers<[1], [1], [0], [0], [0, 0, 1, 0], [], []>, transpose_lhs_hint = false} : vector<64x768xf32>, vector<2048x768xf32>, vector<64x2048xf32> -> vector<64x2048xf32>
      %neg3A = arith.constant 0.000000e+00 : f32
      %neg3A_121 = vector.broadcast %neg3A : f32 to vector<64x2048xf32>
      %neg3A_122 = arith.subf %neg3A_121, %dot_general3A_118 : vector<64x2048xf32>
      %exp3A = math.exp %neg3A_122 : vector<64x2048xf32>
      %add3A_123 = arith.constant 1.000000e+00 : f32
      %add3A_124 = vector.broadcast %add3A_123 : f32 to vector<64x2048xf32>
      %add3A_125 = arith.addf %add3A_124, %exp3A : vector<64x2048xf32>
      %div3A_126 = arith.constant 1.000000e+00 : f32
      %div3A_127 = vector.broadcast %div3A_126 : f32 to vector<64x2048xf32>
      %div3A_128 = arith.divf %div3A_127, %add3A_125 : vector<64x2048xf32>
      %mul3A_129 = arith.mulf %dot_general3A_118, %div3A_128 : vector<64x2048xf32>
      %mul3A_130 = arith.mulf %mul3A_129, %dot_general3A_120 : vector<64x2048xf32>
      %dot_general3A_131 = arith.constant dense<0.000000e+00> : vector<64x768xf32>
      %dot_general3A_132 = tpu.matmul %mul3A_130, %get3A_117, %dot_general3A_131 {dimension_numbers = #tpu.dot_dimension_numbers<[1], [1], [0], [0], [0, 0, 1, 0], [], []>, transpose_lhs_hint = false} : vector<64x2048xf32>, vector<768x2048xf32>, vector<64x768xf32> -> vector<64x768xf32>
      %get3A_133 = arith.index_cast %multiple_of3A : i32 to index
      %get3A_134 = arith.constant 0 : index
      %get3A_135 = vector.load %arg10[%get3A_133, %get3A_134] : memref<2112x768xf32, #tpu.memory_space<vmem>>, vector<64x768xf32>
      %add3A_136 = arith.addf %get3A_135, %dot_general3A_132 : vector<64x768xf32>
      %swap3A = arith.index_cast %multiple_of3A : i32 to index
      %swap3A_137 = arith.constant 0 : index
      %swap3A_138 = vector.load %arg10[%swap3A, %swap3A_137] : memref<2112x768xf32, #tpu.memory_space<vmem>>, vector<64x768xf32>
      tpu.vector_store %arg10[%swap3A, %swap3A_137], %add3A_136 {strides = array<i32>} : memref<2112x768xf32, #tpu.memory_space<vmem>>, vector<64x768xf32>,
      %while3A_139 = arith.constant 0 : i32
      scf.yield %while3A_139 : i32
    }
    return
  }
  func.func @transform_0(%arg0: i32, %arg1: memref<64xi32, #tpu.memory_space<smem>>, %arg2: memref<64xi32, #tpu.memory_space<smem>>) -> (i32, i32) {
    %c0_i32 = arith.constant 0 : i32
    %c0_i32_0 = arith.constant 0 : i32
    %c0_i32_1 = arith.constant 0 : i32
    return %c0_i32, %c0_i32_0 : i32, i32
  }
  func.func @transform_1(%arg0: i32, %arg1: memref<64xi32, #tpu.memory_space<smem>>, %arg2: memref<64xi32, #tpu.memory_space<smem>>) -> (i32, i32, i32) {
    %c0_i32 = arith.constant 0 : i32
    %c0_i32_0 = arith.constant 0 : i32
    %c0_i32_1 = arith.constant 0 : i32
    return %arg0, %c0_i32, %c0_i32_0 : i32, i32, i32
  }
  func.func @transform_2(%arg0: i32, %arg1: memref<64xi32, #tpu.memory_space<smem>>, %arg2: memref<64xi32, #tpu.memory_space<smem>>) -> (i32, i32, i32) {
    %c0_i32 = arith.constant 0 : i32
    %c0_i32_0 = arith.constant 0 : i32
    %c0_i32_1 = arith.constant 0 : i32
    return %arg0, %c0_i32, %c0_i32_0 : i32, i32, i32
  }
  func.func @transform_3(%arg0: i32, %arg1: memref<64xi32, #tpu.memory_space<smem>>, %arg2: memref<64xi32, #tpu.memory_space<smem>>) -> (i32, i32, i32) {
    %c0_i32 = arith.constant 0 : i32
    %c0_i32_0 = arith.constant 0 : i32
    %c0_i32_1 = arith.constant 0 : i32
    return %arg0, %c0_i32, %c0_i32_0 : i32, i32, i32
  }
  func.func @transform_4(%arg0: i32, %arg1: memref<64xi32, #tpu.memory_space<smem>>, %arg2: memref<64xi32, #tpu.memory_space<smem>>) -> (i32, i32) {
    %jit3A = arith.constant 8 : i32
    %div3A = arith.divsi %arg0, %jit3A : i32
    %sign3A = arith.constant 0 : i32
    %sign3A_0 = arith.cmpi sgt, %arg0, %sign3A : i32
    %sign3A_1 = arith.extui %sign3A_0 : i1 to i32
    %sign3A_2 = arith.constant 0 : i32
    %sign3A_3 = arith.cmpi slt, %arg0, %sign3A_2 : i32
    %sign3A_4 = arith.extui %sign3A_3 : i1 to i32
    %sign3A_5 = arith.subi %sign3A_1, %sign3A_4 : i32
    %sign3A_6 = arith.constant 0 : i32
    %sign3A_7 = arith.cmpi sgt, %jit3A, %sign3A_6 : i32
    %sign3A_8 = arith.extui %sign3A_7 : i1 to i32
    %sign3A_9 = arith.constant 0 : i32
    %sign3A_10 = arith.cmpi slt, %jit3A, %sign3A_9 : i32
    %sign3A_11 = arith.extui %sign3A_10 : i1 to i32
    %sign3A_12 = arith.subi %sign3A_8, %sign3A_11 : i32
    %ne3A = arith.cmpi ne, %sign3A_5, %sign3A_12 : i32
    %rem3A = arith.remsi %arg0, %jit3A : i32
    %ne3A_13 = arith.constant 0 : i32
    %ne3A_14 = arith.cmpi ne, %rem3A, %ne3A_13 : i32
    %and3A = arith.andi %ne3A, %ne3A_14 : i1
    %sub3A = arith.constant 1 : i32
    %sub3A_15 = arith.subi %div3A, %sub3A : i32
    %select_n3A = arith.select %and3A, %sub3A_15, %div3A : i32
    %c0_i32 = arith.constant 0 : i32
    %c0_i32_16 = arith.constant 0 : i32
    return %select_n3A, %c0_i32 : i32, i32
  }
  func.func @transform_5(%arg0: i32, %arg1: memref<64xi32, #tpu.memory_space<smem>>, %arg2: memref<64xi32, #tpu.memory_space<smem>>) -> (i32, i32) {
    %jit3A = arith.constant 8 : i32
    %div3A = arith.divsi %arg0, %jit3A : i32
    %sign3A = arith.constant 0 : i32
    %sign3A_0 = arith.cmpi sgt, %arg0, %sign3A : i32
    %sign3A_1 = arith.extui %sign3A_0 : i1 to i32
    %sign3A_2 = arith.constant 0 : i32
    %sign3A_3 = arith.cmpi slt, %arg0, %sign3A_2 : i32
    %sign3A_4 = arith.extui %sign3A_3 : i1 to i32
    %sign3A_5 = arith.subi %sign3A_1, %sign3A_4 : i32
    %sign3A_6 = arith.constant 0 : i32
    %sign3A_7 = arith.cmpi sgt, %jit3A, %sign3A_6 : i32
    %sign3A_8 = arith.extui %sign3A_7 : i1 to i32
    %sign3A_9 = arith.constant 0 : i32
    %sign3A_10 = arith.cmpi slt, %jit3A, %sign3A_9 : i32
    %sign3A_11 = arith.extui %sign3A_10 : i1 to i32
    %sign3A_12 = arith.subi %sign3A_8, %sign3A_11 : i32
    %ne3A = arith.cmpi ne, %sign3A_5, %sign3A_12 : i32
    %rem3A = arith.remsi %arg0, %jit3A : i32
    %ne3A_13 = arith.constant 0 : i32
    %ne3A_14 = arith.cmpi ne, %rem3A, %ne3A_13 : i32
    %and3A = arith.andi %ne3A, %ne3A_14 : i1
    %sub3A = arith.constant 1 : i32
    %sub3A_15 = arith.subi %div3A, %sub3A : i32
    %select_n3A = arith.select %and3A, %sub3A_15, %div3A : i32
    %c0_i32 = arith.constant 0 : i32
    %c0_i32_16 = arith.constant 0 : i32
    return %select_n3A, %c0_i32 : i32, i32
  }
  func.func @transform_6(%arg0: i32, %arg1: memref<64xi32, #tpu.memory_space<smem>>, %arg2: memref<64xi32, #tpu.memory_space<smem>>) -> (i32, i32) {
    %jit3A = arith.constant 8 : i32
    %div3A = arith.divsi %arg0, %jit3A : i32
    %sign3A = arith.constant 0 : i32
    %sign3A_0 = arith.cmpi sgt, %arg0, %sign3A : i32
    %sign3A_1 = arith.extui %sign3A_0 : i1 to i32
    %sign3A_2 = arith.constant 0 : i32
    %sign3A_3 = arith.cmpi slt, %arg0, %sign3A_2 : i32
    %sign3A_4 = arith.extui %sign3A_3 : i1 to i32
    %sign3A_5 = arith.subi %sign3A_1, %sign3A_4 : i32
    %sign3A_6 = arith.constant 0 : i32
    %sign3A_7 = arith.cmpi sgt, %jit3A, %sign3A_6 : i32
    %sign3A_8 = arith.extui %sign3A_7 : i1 to i32
    %sign3A_9 = arith.constant 0 : i32
    %sign3A_10 = arith.cmpi slt, %jit3A, %sign3A_9 : i32
    %sign3A_11 = arith.extui %sign3A_10 : i1 to i32
    %sign3A_12 = arith.subi %sign3A_8, %sign3A_11 : i32
    %ne3A = arith.cmpi ne, %sign3A_5, %sign3A_12 : i32
    %rem3A = arith.remsi %arg0, %jit3A : i32
    %ne3A_13 = arith.constant 0 : i32
    %ne3A_14 = arith.cmpi ne, %rem3A, %ne3A_13 : i32
    %and3A = arith.andi %ne3A, %ne3A_14 : i1
    %sub3A = arith.constant 1 : i32
    %sub3A_15 = arith.subi %div3A, %sub3A : i32
    %select_n3A = arith.select %and3A, %sub3A_15, %div3A : i32
    %c0_i32 = arith.constant 0 : i32
    %c0_i32_16 = arith.constant 0 : i32
    return %c0_i32, %select_n3A : i32, i32
  }
  func.func @transform_7(%arg0: i32, %arg1: memref<64xi32, #tpu.memory_space<smem>>, %arg2: memref<64xi32, #tpu.memory_space<smem>>) -> (i32, i32) {
    %c0_i32 = arith.constant 0 : i32
    %c0_i32_0 = arith.constant 0 : i32
    %c0_i32_1 = arith.constant 0 : i32
    return %c0_i32, %c0_i32_0 : i32, i32
  }
}

</mosaic_0001>

<sc_bundles>
// kernel: kernel.6.cloned.1.call-start
scs
__scs_entry_jumppad:
0x0: {  	(pc) =	sbr.rel $0x88, $3  }
0x1: {  	(tag) =	ssettag $0x0;
	lr =	simm.s32 $0x1  }
0x2: {  	[smem:$0x3F99] =	sst lr;
	_ =	strace $0xD0000000  }
0x3: {  	_ = 	snop  }
0x4: {  	_ = 	snop  }
0x5: {  	_ = 	snop  }
0x6: {  	_ = 	snop  }
0x7: {  	_ = 	snop  }
__scs_overlays_trampoline_lowered:
0x8: {  	[smem:$0x3FA8] =	sst s0  }
0x9: {  	[smem:$0x3FA9] =	sst s1  }
0xa: {  	[smem:$0x3FAA] =	sst s2  }
0xb: {  	[smem:$0x3FAB] =	sst s3  }
0xc: {  	[smem:$0x3FAC] =	sst s4  }
0xd: {  	[smem:$0x3FAD] =	sst s5  }
0xe: {  	[smem:$0x3FAE] =	sst s6  }
0xf: {  	[smem:$0x3FAF] =	sst s7  }
0x10: {  	[smem:$0x3FB0] =	sst s8  }
0x11: {  	[smem:$0x3FB1] =	sst s9;
	s0 =	simm.s32 @!p0 $0x0  }
0x12: {  	s1 =	sld [smem:$0x3F97];
	s0 =	simm.s32 @p0 $0x1  }
0x13: {  	[smem:$0x3FB2] =	sst s0;
	s0 =	simm.s32 @!p1 $0x0  }
0x14: {  	s2 =	sld [smem:$0x3F96];
	s0 =	simm.s32 @p1 $0x1  }
0x15: {  	[smem:$0x3FB3] =	sst s0;
	s0 =	simm.s32 @!p2 $0x0  }
0x16: {  	s3 =	sld [smem:$0x3FDB];
	s0 =	simm.s32 @p2 $0x1  }
0x17: {  	s4 =	simm.s32 $0x1BF5;
	[smem:$0x3FB5] =	sst s0  }
0x18: {  	s0 =	sld [smem:$0x3F98];
	_ =	swait.ge [sflag:s4], $0x0  }
0x19: {  	s7 =	sld [smem:$0x3F99]  }
0x1a: {  	s8 =	sadd.s32 $0xFFFFE003, lr  }
0x1b: {  	s9 =	sadd.s32 $0xFFFFFEF7, lr;
	s5 =	simm.s32 $0xFFFFFFFF;
	p2 =	slt.u32 s8, $0xFFFFF086  }
0x1c: {  	p1 =	slt.u32 s9, $0xF7A;
	s5 =	simm.s32 @!p2 $0x0  }
0x1d: {  	s5 =	simm.s32 @p1 $0x1;
	p0 =	seq.s32 s7, s2  }
0x1e: {  	s7 =	smul.u32 @!p0 $0xF7A, s2;
	p2 =	seq.s32 @!p0 s5, $0x0  }
0x1f: {  	s9 =	smul.u32 $0xF7A, s1;
	s8 =	simm.s32 @!p0 $0x1BF5;
	p2 =	por !p2, p0  }
0x20: {  	[sflag:s8] =	ssyncset.s32 @!p0 $0xFFFFF086;
	s6 =	sadd.s32 @!p0 s3, s7;
	s7 =	simm.s32 @!p0 $0x108  }
0x21: {  	s3 =	sadd.s32 s3, s9;
	s6 =	sadd.s32 @!p0 $0x88, s6;
	s7 =	simm.s32 @p2 $0x1082  }
0x22: {  	[simem:s7], [sflag:s8] =	dma.local @!p0 [hbm:s6], $0xF7A  }
0x23: {  	s9 =	sor.u32 $0xD0000000, s2;
	s6 =	simm.s32 $0x108;
	_ =	swait.ge @!p0 [sflag:s8], $0x0  }
0x24: {  	s3 =	sadd.s32 $0x88, s3;
	s6 =	simm.s32 @!p1 $0x1082;
	[sflag:s4] =	ssyncset.s32 $0xFFFFF086  }
0x25: {  	[simem:s6], [sflag:s4] =	dma.local [hbm:s3], $0xF7A  }
0x26: {  	[smem:$0x3F99] =	sst s1;
	(tag) =	ssettag s2;
	_ =	strace s9  }
0x27: {  	s1 =	sld [smem:$0x3FA9]  }
0x28: {  	s2 =	sld [smem:$0x3FAA]  }
0x29: {  	s4 =	sld [smem:$0x3FAC]  }
0x2a: {  	p0 =	seq.s32 s5, $0x0;
	s5 =	sld [smem:$0x3FAD]  }
0x2b: {  	s6 =	sld [smem:$0x3FAE]  }
0x2c: {  	s7 =	sld [smem:$0x3FAF]  }
0x2d: {  	s3 =	simm.s32 $0x108;
	s8 =	sld [smem:$0x3FB0]  }
0x2e: {  	s3 =	simm.s32 @!p0 $0x1082;
	s9 =	sld [smem:$0x3FB1]  }
0x2f: {  	lr =	sadd.s32 s0, s3;
	s0 =	sld [smem:$0x3FA8]  }
0x30: {  	s3 =	sld [smem:$0x3FAB]  }
0x31: {  	[smem:$0x3FB4] =	sst s10  }
0x32: {  	s10 =	sld [smem:$0x3FB2];
	_ =	sdelay $0x3  }
0x33: {  	p0 =	seq.s32 s10, $0x1;
	s10 =	sld [smem:$0x3FB4];
	_ =	sdelay $0x3  }
0x34: {  	[smem:$0x3FB4] =	sst s10  }
0x35: {  	s10 =	sld [smem:$0x3FB3];
	_ =	sdelay $0x3  }
0x36: {  	p1 =	seq.s32 s10, $0x1;
	s10 =	sld [smem:$0x3FB4];
	_ =	sdelay $0x3  }
0x37: {  	[smem:$0x3FB4] =	sst s10  }
0x38: {  	s10 =	sld [smem:$0x3FB5]  }
0x39: {  	_ = 	snop;
	(pc) =	sbr.ind lr, $3  }
0x3a: {  	_ = 	snop  }
0x3b: {  	_ = 	snop  }
0x3c: {  	p2 =	seq.s32 s10, $0x1;
	s10 =	sld [smem:$0x3FB4]  }
0x3d: {  	_ =	shalt  }
0x3e: {  	_ =	shalt  }
0x3f: {  	_ =	shalt  }
0x40: {  	_ =	shalt  }
0x41: {  	_ =	shalt  }
0x42: {  	_ =	shalt  }
0x43: {  	_ =	shalt  }
0x44: {  	_ =	shalt  }
0x45: {  	_ =	shalt  }
0x46: {  	_ =	shalt  }
0x47: {  	_ =	shalt  }
0x48: {  	_ =	shalt  }
0x49: {  	_ =	shalt  }
0x4a: {  	_ =	shalt  }
0x4b: {  	_ =	shalt  }
0x4c: {  	_ =	shalt  }
0x4d: {  	_ =	shalt  }
0x4e: {  	_ =	shalt  }
0x4f: {  	_ =	shalt  }
0x50: {  	_ =	shalt  }
0x51: {  	_ =	shalt  }
0x52: {  	_ =	shalt  }
0x53: {  	_ =	shalt  }
0x54: {  	_ =	shalt  }
0x55: {  	_ =	shalt  }
0x56: {  	_ =	shalt  }
0x57: {  	_ =	shalt  }
0x58: {  	_ =	shalt  }
0x59: {  	_ =	shalt  }
0x5a: {  	_ =	shalt  }
0x5b: {  	_ =	shalt  }
0x5c: {  	_ =	shalt  }
0x5d: {  	_ =	shalt  }
0x5e: {  	_ =	shalt  }
0x5f: {  	_ =	shalt  }
0x60: {  	_ =	shalt  }
0x61: {  	_ =	shalt  }
0x62: {  	_ =	shalt  }
0x63: {  	_ =	shalt  }
0x64: {  	_ =	shalt  }
0x65: {  	_ =	shalt  }
0x66: {  	_ =	shalt  }
0x67: {  	_ =	shalt  }
0x68: {  	_ =	shalt  }
0x69: {  	_ =	shalt  }
0x6a: {  	_ =	shalt  }
0x6b: {  	_ =	shalt  }
0x6c: {  	_ =	shalt  }
0x6d: {  	_ =	shalt  }
0x6e: {  	_ =	shalt  }
0x6f: {  	_ =	shalt  }
0x70: {  	_ =	shalt  }
0x71: {  	_ =	shalt  }
0x72: {  	_ =	shalt  }
0x73: {  	_ =	shalt  }
0x74: {  	_ =	shalt  }
0x75: {  	_ =	shalt  }
0x76: {  	_ =	shalt  }
0x77: {  	_ =	shalt  }
0x78: {  	_ =	shalt  }
0x79: {  	_ =	shalt  }
0x7a: {  	_ =	shalt  }
0x7b: {  	_ =	shalt  }
0x7c: {  	_ =	shalt  }
0x7d: {  	_ =	shalt  }
0x7e: {  	_ =	shalt  }
0x7f: {  	_ =	shalt  }
0x80: {  	_ =	shalt  }
0x81: {  	_ =	shalt  }
0x82: {  	_ =	shalt  }
0x83: {  	_ =	shalt  }
0x84: {  	_ =	shalt  }
0x85: {  	_ =	shalt  }
0x86: {  	_ =	shalt  }
0x87: {  	_ =	shalt  }
.Lfunc_end0:
.L_simem_size_0:
called_computation_lowered:
.L_overlay_start_0:
0x88: {  	s2 =	sld [smem:$0x3FD9]  }
0x89: {  	s3 =	sld [smem:$0x3FFE];
	_ =	sdelay $0x1  }
0x8a: {  	s1 =	srdreg.scid  }
0x8b: {  	s0 =	sand.u32 $0x1, s1  }
0x8c: {  	s17 =	sshll.u32 s0, $0xA;
	s2 =	sadd.s32 s3, s2  }
0x8d: {  	s2 =	sadd.s32 s2, s17  }
0x8e: {  	[smem:$0x3FC0] =	sst s2  }
0x8f: {  	_ = 	snop  }
0x90: {  	s2 =	sld [smem:$0x3FC9];
	(tm) =	ssettm $0x1  }
0x91: {  	s18 =	sld [smem:$0x3FFB];
	_ =	sdelay $0x3  }
0x92: {  	_ =	strace s18  }
0x93: {  	s3 =	sld [smem:$0x3FFC];
	_ =	sdelay $0x3  }
0x94: {  	_ =	strace s3  }
0x95: {  	s3 =	sld [smem:$0x3FFD];
	_ =	sdelay $0x3  }
0x96: {  	_ =	strace s3  }
0x97: {  	_ =	strace $0x8FFFFFFF  }
0x98: {  	s19 =	sld [smem:$0x3FDB];
	_ =	sdelay $0x1  }
0x99: {  	s4 =	simm.s32 $_scs_section_size  }
0x9a: {  	s5 =	simm.s32 $_size__tile_overlayer_lowered;
	s6 =	simm.s32 $_tile_overlayer_lowered  }
0x9b: {  	s22 =	simm.s32 $0x1BFF;
	s21 =	sshll.u32 s6, $0x1;
	s3 =	sadd.s32 s4, s19  }
0x9c: {  	s7 =	simm.s32 $0x0;
	s20 =	sshll.u32 s5, $0x1;
	s5 =	sadd.s32 s21, s3  }
0x9d: {  	[timem:s7], [sflag:s22] =	dma.local [hbm:s5], s20  }
0x9e: {  	_ =	swait.ge [sflag:s22], s20  }
0x9f: {  	s4 =	ssub.s32 $0x0, s20;
	[sflag:s22] =	ssyncset.done $0x0  }
0xa0: {  	[sflag:s22] =	ssyncadd.s32 s4;
	_ =	sdelay $0x1  }
0xa1: {  	s23 =	simm.s32 $0x1B8B  }
0xa2: {  	_ =	swait.ge [sflag:s23], $0x1  }
0xa3: {  	[sflag:s23] =	ssyncset.done $0x0  }
0xa4: {  	s25 =	simm.s32 $0x1B8E;
	s24 =	sld [smem:$0x3FFE];
	[sflag:s23] =	ssyncadd.s32 $0xFFFFFFFF  }
0xa5: {  	s26 =	simm.s32 $execute0_lowered;
	[smem:$0x3FD2] =	sst s25  }
0xa6: {  	s5 =	sshll.u32 s26, $0x1;
	_ =	strace $0x80000046;
	[dreg:$0x1] =	wrdreg $0xFFFFFFFF  }
0xa7: {  	s28 =	simm.s32 $_size_execute0_lowered;
	s3 =	sadd.s32 s3, s5;
	[dreg:$0x0] =	wrdreg $0x0  }
0xa8: {  	s5 =	sshll.u32 s28, $0x1;
	[dreg:$0x2] =	wrdreg s3  }
0xa9: {  	[dreg:$0x3] =	wrdreg s5  }
0xaa: {  	[dreg:$0x4] =	wrdreg $0xC0  }
0xab: {  	_ =	task [dreg:s7], $0x5FFFF  }
0xac: {  	[dreg:$0x1] =	wrdreg $0xFFFFFFFF  }
0xad: {  	[dreg:$0x0] =	wrdreg $0x60  }
0xae: {  	[dreg:$0x2] =	wrdreg s2  }
0xaf: {  	[dreg:$0x3] =	wrdreg s24  }
0xb0: {  	[dreg:$0x4] =	wrdreg $0x9  }
0xb1: {  	_ =	task.clear_ibuf [dreg:s7], $0x5FFFF;
	_ =	strace $0x90000046  }
0xb2: {  	s29 =	simm.s32 $0x9;
	_ =	strace $0x80000048  }
0xb3: {  	_ =	swait.ge [sflag:s29], $0x1  }
0xb4: {  	[sflag:s29] =	ssyncadd.s32 $0xFFFFFFFF  }
0xb5: {  	_ =	strace $0x90000048  }
0xb6: {  	_ =	sfence  }
0xb7: {  	s30 =	sld [smem:$0x0];
	_ =	sdelay $0x2  }
0xb8: {  	s31 =	sshll.u32 s1, $0xD;
	s1 =	sshrl.u32 s1, $0x2  }
0xb9: {  	s3 =	sand.u32 $0x4000, s31;
	s1 =	sadd.s32 s1, s30  }
0xba: {  	s0 =	sor.u32 s3, s0;
	s1 =	sshll.u32 s1, $0x11  }
0xbb: {  	s0 =	sor.u32 s1, s0  }
0xbc: {  	s0 =	sadd.s32 $0x8F2B, s0  }
0xbd: {  	[sflag:s0] =	ssyncadd.remote.s32 $0x1  }
0xbe: {  	_ =	sfence.sel $0xFFFF  }
0xbf: {  	[dreg:$0x0] =	wrdreg $0xFFFFFFFF;
	(pc) =	sbr.abs _section_cstart, $3  }
0xc0: {  	[dreg:$0x1] =	wrdreg $0xFFFFFFFF  }
0xc1: {  	_ =	task.clear_ibuf [dreg:s7], $0x2FFFF;
	_ =	strace $0x9FFFFFFF  }
0xc2: {  	(tm) =	ssettm $0x7FFFFFFF  }
0xc3: {  	_ =	shalt  }
tec
execute0_lowered:
.L_overlay_start_1:
0x0: {  	(tag) =	ssettag $0x1  }
0x1: {  	s1 =	srdreg.scid  }
0x2: {  	s4 =	rddreg [dreg:$0x0];
	s0 =	stileid.u32  }
0x3: {  	s5 =	rddreg [dreg:$0x1];
	s24 =	simm.s32 $0x80;
	s25 =	simm.s32 $0x900  }
0x4: {  	s26 =	simm.s32 $0x1100;
	s12 =	simm.s32 $0x2100;
	s13 =	simm.s32 $0x2900  }
0x5: {  	s14 =	simm.s32 $0x3100;
	s15 =	simm.s32 $0x3900;
	s16 =	simm.s32 $0x4100  }
0x6: {  	s17 =	simm.s32 $0x4900;
	s18 =	simm.s32 $0x5100;
	s19 =	simm.s32 $0x5900  }
0x7: {  	s20 =	simm.s32 $0x2;
	s28 =	simm.s32 $0x9900;
	s29 =	simm.s32 $0xA100  }
0x8: {  	s30 =	simm.s32 $0xA900;
	s31 =	simm.s32 $0xB100;
	s1 =	sand.u32 $0x1, s1  }
0x9: {  	s2 =	sshll.u32 s0, $0x4;
	s9 =	sadd.s32 $0x1000, s5;
	s3 =	sshll.u32 s1, $0x3  }
0xa: {  	s1 =	ssub.s32 $0x2, s1;
	s6 =	sor.u32 s3, s2;
	s2 =	simm.s32 $0x0  }
0xb: {  	s22 =	sshrl.u32 s1, $0x1;
	s3 =	smul.u32 $0x300, s6;
	s7 =	sor.u32 $0x4, s6  }
0xc: {  	[smem:$0x7FF] =	sst s2;
	s21 =	sadd.s32 s9, s6;
	s1 =	ssub.s32 s1, s22  }
0xd: {  	s22 =	simm.s32 $0x7100;
	_ =	strace $0x80000047;
	[dreg:$0x5] =	wrdreg s21  }
0xe: {  	s8 =	smul.u32 $0x300, s7;
	s23 =	sadd.s32 s9, s7;
	[dreg:$0x7] =	wrdreg s24  }
0xf: {  	s6 =	smax.u32 s1, $0x1;
	s7 =	simm.s32 $0x100;
	[dreg:$0x8] =	wrdreg s25  }
0x10: {  	s9 =	simm.s32 $0x3;
	[dreg:$0x9] =	wrdreg s26;
	s21 =	simm.s32 $0x6900  }
0x11: {  	s24 =	simm.s32 $0x8100;
	s25 =	simm.s32 $0x8900;
	s26 =	simm.s32 $0x9100  }
0x12: {  	s1 =	simm.s32 $0xB900;
	s10 =	sadd.s32 s4, s3;
	[dreg:$0x6] =	wrdreg s23  }
0x13: {  	v2 =	vlaneseq.u32;
	s3 =	sadd.s32 $0x1200, s5;
	s23 =	simm.s32 $0x7900;
	[dreg:$0x3] =	wrdreg s10  }
0x14: {  	vm0 =	vmmov $0xffff;
	v1 =	vshrl.u32 v2, $0x3;
	s4 =	sadd.s32 s4, s8;
	s8 =	simm.s32 $0x6100;
	s10 =	simm.s32 $0x1  }
0x15: {  	v0 =	vand.u32 $0x7, v2;
	v2 =	vor.u32 $0x8, v2;
	v1 =	vmul.u32 $0x8, v1;
	[dreg:$0x4] =	wrdreg s4;
	s4 =	sadd.s32 $0x1300, s5;
	s5 =	sadd.s32 $0x1400, s5  }
.LBB2_1:
0x16: {  	s0 =	rddreg [dreg:$0x3]  }
0x17: {  	[tilespmem:s7], [sflag:$0x1] =	stream.linear.gather [hbm4b:s0+s2], $0x6000, $0x38;
	[tilespmem:$0xC100] =	vst v63  }
0x18: {  	s11 =	rddreg [dreg:$0x4]  }
0x19: {  	[tilespmem:s8], [sflag:$0x2] =	stream.linear.gather [hbm4b:s11+s2], $0x6000, $0x38;
	[tilespmem:$0xC100] =	vst v63  }
0x1a: {  	s0 =	rddreg [dreg:$0x5]  }
0x1b: {  	[tilespmem:s2], [sflag:$0x3] =	stream.linear.gather [hbm4b:s0+s2], $0x20, $0x38;
	[tilespmem:$0xC100] =	vst v63  }
0x1c: {  	_ =	swait.ge [sflag:s9], $0x20  }
0x1d: {  	s0 =	rddreg [dreg:$0x6];
	[sflag:s9] =	ssyncset.done $0x0  }
0x1e: {  	s11 =	rddreg [dreg:$0x7];
	[sflag:s9] =	ssyncadd.s32 $0xFFFFFFE0  }
0x1f: {  	[tilespmem:s11], [sflag:$0x3] =	stream.linear.gather [hbm4b:s0+s2], $0x20, $0x38;
	[tilespmem:$0xC100] =	vst v63  }
0x20: {  	_ =	swait.ge [sflag:s9], $0x20  }
0x21: {  	[sflag:s9] =	ssyncset.done $0x0  }
0x22: {  	[sflag:s9] =	ssyncadd.s32 $0xFFFFFFE0  }
0x23: {  	_ =	swait.ge [sflag:s10], $0x6000  }
0x24: {  	[sflag:s10] =	ssyncset.done $0x0  }
0x25: {  	[sflag:s10] =	ssyncadd.s32 $0xFFFFA000  }
0x26: {  	v3 =	vld [tilespmem:$0x0];
	_ =	sdelay $0x4  }
0x27: {  	v4 =	vshrl.u32 v3, $0x3  }
0x28: {  	v4 =	vmul.u32 $0x30, v4  }
0x29: {  	v3 =	vand.u32 $0x7, v3  }
0x2a: {  	v3 =	vor.u32 v3, v4  }
0x2b: {  	v4 =	vperm.xlane v3, v0;
	_ =	sdelay $0x1  }
0x2c: {  	v4 =	vadd.s32 v1, v4;
	_ =	sdelay $0x3  }
0x2d: {  	v3 =	vperm.xlane v3, v2  }
0x2e: {  	[hbm4b:s3+s2] =	stream.indirect_vreg.scatter [tilespmem:s7], [sflag:$0x1], $0x80, v4, vm0, $0xb8;
	[tilespmem:$0xC100] =	vst v63  }
0x2f: {  	s0 =	rddreg [dreg:$0x8];
	v3 =	vadd.s32 v1, v3  }
0x30: {  	[hbm4b:s4+s2] =	stream.indirect_vreg.scatter [tilespmem:s0], [sflag:$0x1], $0x80, v4, vm0, $0xb8;
	[tilespmem:$0xC100] =	vst v63  }
0x31: {  	s11 =	rddreg [dreg:$0x9]  }
0x32: {  	[hbm4b:s5+s2] =	stream.indirect_vreg.scatter [tilespmem:s11], [sflag:$0x1], $0x80, v4, vm0, $0xb8;
	[tilespmem:$0xC100] =	vst v63  }
0x33: {  	s11 =	simm.s32 $0x1900  }
0x34: {  	[hbm4b:s3+s2] =	stream.indirect_vreg.scatter [tilespmem:s11], [sflag:$0x1], $0x80, v3, vm0, $0xb8;
	[tilespmem:$0xC100] =	vst v63  }
0x35: {  	_ = 	snop  }
0x36: {  	[hbm4b:s4+s2] =	stream.indirect_vreg.scatter [tilespmem:s12], [sflag:$0x1], $0x80, v3, vm0, $0xb8;
	[tilespmem:$0xC100] =	vst v63  }
0x37: {  	_ = 	snop  }
0x38: {  	[hbm4b:s5+s2] =	stream.indirect_vreg.scatter [tilespmem:s13], [sflag:$0x1], $0x80, v3, vm0, $0xb8;
	[tilespmem:$0xC100] =	vst v63  }
0x39: {  	v3 =	vld [tilespmem:$0x10];
	_ =	sdelay $0x4  }
0x3a: {  	v61 =	vshrl.u32 v3, $0x3  }
0x3b: {  	v4 =	vmul.u32 $0x30, v61  }
0x3c: {  	v3 =	vand.u32 $0x7, v3  }
0x3d: {  	v3 =	vor.u32 v3, v4  }
0x3e: {  	v4 =	vperm.xlane v3, v0;
	_ =	sdelay $0x1  }
0x3f: {  	v4 =	vadd.s32 v1, v4;
	_ =	sdelay $0x3  }
0x40: {  	v3 =	vperm.xlane v3, v2  }
0x41: {  	[hbm4b:s3+s2] =	stream.indirect_vreg.scatter [tilespmem:s14], [sflag:$0x1], $0x80, v4, vm0, $0xb8;
	[tilespmem:$0xC100] =	vst v63  }
0x42: {  	v3 =	vadd.s32 v1, v3  }
0x43: {  	[hbm4b:s4+s2] =	stream.indirect_vreg.scatter [tilespmem:s15], [sflag:$0x1], $0x80, v4, vm0, $0xb8;
	[tilespmem:$0xC100] =	vst v63  }
0x44: {  	_ = 	snop  }
0x45: {  	[hbm4b:s5+s2] =	stream.indirect_vreg.scatter [tilespmem:s16], [sflag:$0x1], $0x80, v4, vm0, $0xb8;
	[tilespmem:$0xC100] =	vst v63  }
0x46: {  	_ = 	snop  }
0x47: {  	[hbm4b:s3+s2] =	stream.indirect_vreg.scatter [tilespmem:s17], [sflag:$0x1], $0x80, v3, vm0, $0xb8;
	[tilespmem:$0xC100] =	vst v63  }
0x48: {  	_ = 	snop  }
0x49: {  	[hbm4b:s4+s2] =	stream.indirect_vreg.scatter [tilespmem:s18], [sflag:$0x1], $0x80, v3, vm0, $0xb8;
	[tilespmem:$0xC100] =	vst v63  }
0x4a: {  	_ = 	snop  }
0x4b: {  	[hbm4b:s5+s2] =	stream.indirect_vreg.scatter [tilespmem:s19], [sflag:$0x1], $0x80, v3, vm0, $0xb8;
	[tilespmem:$0xC100] =	vst v63  }
0x4c: {  	_ =	swait.ge [sflag:s20], $0x6000  }
0x4d: {  	[sflag:s20] =	ssyncset.done $0x0  }
0x4e: {  	[sflag:s20] =	ssyncadd.s32 $0xFFFFA000  }
0x4f: {  	v3 =	vld [tilespmem:$0x80];
	_ =	sdelay $0x4  }
0x50: {  	v62 =	vshrl.u32 v3, $0x3  }
0x51: {  	v4 =	vmul.u32 $0x30, v62  }
0x52: {  	v3 =	vand.u32 $0x7, v3  }
0x53: {  	v3 =	vor.u32 v3, v4  }
0x54: {  	v4 =	vperm.xlane v3, v0;
	_ =	sdelay $0x1  }
0x55: {  	v4 =	vadd.s32 v1, v4;
	_ =	sdelay $0x3  }
0x56: {  	v3 =	vperm.xlane v3, v2  }
0x57: {  	[hbm4b:s3+s2] =	stream.indirect_vreg.scatter [tilespmem:s8], [sflag:$0x2], $0x80, v4, vm0, $0xb8;
	[tilespmem:$0xC100] =	vst v63  }
0x58: {  	v3 =	vadd.s32 v1, v3  }
0x59: {  	[hbm4b:s4+s2] =	stream.indirect_vreg.scatter [tilespmem:s21], [sflag:$0x2], $0x80, v4, vm0, $0xb8;
	[tilespmem:$0xC100] =	vst v63  }
0x5a: {  	_ = 	snop  }
0x5b: {  	[hbm4b:s5+s2] =	stream.indirect_vreg.scatter [tilespmem:s22], [sflag:$0x2], $0x80, v4, vm0, $0xb8;
	[tilespmem:$0xC100] =	vst v63  }
0x5c: {  	_ = 	snop  }
0x5d: {  	[hbm4b:s3+s2] =	stream.indirect_vreg.scatter [tilespmem:s23], [sflag:$0x2], $0x80, v3, vm0, $0xb8;
	[tilespmem:$0xC100] =	vst v63  }
0x5e: {  	_ = 	snop  }
0x5f: {  	[hbm4b:s4+s2] =	stream.indirect_vreg.scatter [tilespmem:s24], [sflag:$0x2], $0x80, v3, vm0, $0xb8;
	[tilespmem:$0xC100] =	vst v63  }
0x60: {  	_ = 	snop  }
0x61: {  	[hbm4b:s5+s2] =	stream.indirect_vreg.scatter [tilespmem:s25], [sflag:$0x2], $0x80, v3, vm0, $0xb8;
	[tilespmem:$0xC100] =	vst v63  }
0x62: {  	v3 =	vld [tilespmem:$0x90];
	_ =	sdelay $0x4  }
0x63: {  	v63 =	vshrl.u32 v3, $0x3  }
0x64: {  	v4 =	vmul.u32 $0x30, v63  }
0x65: {  	v3 =	vand.u32 $0x7, v3  }
0x66: {  	v3 =	vor.u32 v3, v4  }
0x67: {  	v4 =	vperm.xlane v3, v0;
	_ =	sdelay $0x1  }
0x68: {  	v4 =	vadd.s32 v1, v4;
	_ =	sdelay $0x3  }
0x69: {  	v3 =	vperm.xlane v3, v2  }
0x6a: {  	[hbm4b:s3+s2] =	stream.indirect_vreg.scatter [tilespmem:s26], [sflag:$0x2], $0x80, v4, vm0, $0xb8;
	[tilespmem:$0xC100] =	vst v63  }
0x6b: {  	v3 =	vadd.s32 v1, v3  }
0x6c: {  	[hbm4b:s4+s2] =	stream.indirect_vreg.scatter [tilespmem:s28], [sflag:$0x2], $0x80, v4, vm0, $0xb8;
	[tilespmem:$0xC100] =	vst v63  }
0x6d: {  	_ = 	snop  }
0x6e: {  	[hbm4b:s5+s2] =	stream.indirect_vreg.scatter [tilespmem:s29], [sflag:$0x2], $0x80, v4, vm0, $0xb8;
	[tilespmem:$0xC100] =	vst v63  }
0x6f: {  	_ = 	snop  }
0x70: {  	[hbm4b:s3+s2] =	stream.indirect_vreg.scatter [tilespmem:s30], [sflag:$0x2], $0x80, v3, vm0, $0xb8;
	[tilespmem:$0xC100] =	vst v63  }
0x71: {  	_ = 	snop  }
0x72: {  	[hbm4b:s4+s2] =	stream.indirect_vreg.scatter [tilespmem:s31], [sflag:$0x2], $0x80, v3, vm0, $0xb8;
	[tilespmem:$0xC100] =	vst v63  }
0x73: {  	_ = 	snop  }
0x74: {  	[hbm4b:s5+s2] =	stream.indirect_vreg.scatter [tilespmem:s1], [sflag:$0x2], $0x80, v3, vm0, $0xb8;
	[tilespmem:$0xC100] =	vst v63  }
0x75: {  	p0 =	sne.s32 s6, $0x1;
	_ =	swait.ge [sflag:s10], $0x6000  }
.Ltmp0:
0x76: {  	[sflag:s10] =	ssyncset.done $0x0;
	(pc) =	sbr.rel @p0 .LBB2_1-.Ltmp0, $4  }
0x77: {  	[sflag:s10] =	ssyncadd.s32 $0xFFFFA000  }
0x78: {  	_ =	swait.ge [sflag:s20], $0x6000  }
0x79: {  	[sflag:s20] =	ssyncset.done $0x0  }
0x7a: {  	s6 =	sadd.s32 $0xFFFFFFFF, s6;
	[sflag:s20] =	ssyncadd.s32 $0xFFFFA000  }
0x7b: {  	_ =	sfence.sel $0x180000  }
0x7c: {  	[bflag:$0x0] =	sbarrier.arrive $0xFFFF  }
0x7d: {  	_ =	strace $0x90000047  }
0x7e: {  	s0 =	stileid.u32;
	[bflag:$0x2] =	sbarrier.arrive $0xFFFF  }
0x7f: {  	p0 =	sne.s32 s0, $0x0;
	s0 =	rddreg [dreg:$0x2]  }
0x80: {  	s0 =	sadd.s32 @!p0 $0x100000, s0  }
0x81: {  	[sflag:s0] =	ssyncadd.tile.s32 @!p0 $0x1;
	_ =	shalt  }
.Lfunc_end2:
_tile_overlayer_lowered:
.L_overlay_start_2:
0x82: {  	(tag) =	ssettag $0x2  }
0x83: {  	s0 =	rddreg [dreg:$0x0];
	s2 =	stileid.u32  }
0x84: {  	s1 =	rddreg [dreg:$0x1];
	p0 =	sne.s32 s2, $0x0  }
0x85: {  	s3 =	rddreg [dreg:$0x2];
	[bflag:$0x3] =	sbarrier.arrive $0xFFFF;
	s2 =	simm.s32 @!p0 $0x1C03  }
0x86: {  	[timem:s3], [sflag:s2] =	dma.local @!p0 [hbm:s0], s1  }
0x87: {  	s0 =	simm.s32 @!p0 $0x3  }
0x88: {  	_ =	swait.ge @!p0 [sflag:s0], s1  }
0x89: {  	s1 =	ssub.s32 @!p0 $0x0, s1;
	[sflag:s0] =	ssyncset.done @!p0 $0x0  }
0x8a: {  	[sflag:s0] =	ssyncadd.s32 @!p0 s1  }
0x8b: {  	[bflag:$0x3] =	sbarrier.arrive $0xFFFF  }
0x8c: {  	_ =	shalt  }

// kernel: kernel.9.cloned.1.call-start
scs
__scs_entry_jumppad:
0x0: {  	(pc) =	sbr.rel $0x88, $3  }
0x1: {  	(tag) =	ssettag $0x0;
	lr =	simm.s32 $0x1  }
0x2: {  	[smem:$0x3F99] =	sst lr;
	_ =	strace $0xD0000000  }
0x3: {  	_ = 	snop  }
0x4: {  	_ = 	snop  }
0x5: {  	_ = 	snop  }
0x6: {  	_ = 	snop  }
0x7: {  	_ = 	snop  }
__scs_overlays_trampoline_lowered:
0x8: {  	[smem:$0x3FA8] =	sst s0  }
0x9: {  	[smem:$0x3FA9] =	sst s1  }
0xa: {  	[smem:$0x3FAA] =	sst s2  }
0xb: {  	[smem:$0x3FAB] =	sst s3  }
0xc: {  	[smem:$0x3FAC] =	sst s4  }
0xd: {  	[smem:$0x3FAD] =	sst s5  }
0xe: {  	[smem:$0x3FAE] =	sst s6  }
0xf: {  	[smem:$0x3FAF] =	sst s7  }
0x10: {  	[smem:$0x3FB0] =	sst s8  }
0x11: {  	[smem:$0x3FB1] =	sst s9;
	s0 =	simm.s32 @!p0 $0x0  }
0x12: {  	s1 =	sld [smem:$0x3F97];
	s0 =	simm.s32 @p0 $0x1  }
0x13: {  	[smem:$0x3FB2] =	sst s0;
	s0 =	simm.s32 @!p1 $0x0  }
0x14: {  	s2 =	sld [smem:$0x3F96];
	s0 =	simm.s32 @p1 $0x1  }
0x15: {  	[smem:$0x3FB3] =	sst s0;
	s0 =	simm.s32 @!p2 $0x0  }
0x16: {  	s3 =	sld [smem:$0x3FDB];
	s0 =	simm.s32 @p2 $0x1  }
0x17: {  	s4 =	simm.s32 $0x1BF5;
	[smem:$0x3FB5] =	sst s0  }
0x18: {  	s0 =	sld [smem:$0x3F98];
	_ =	swait.ge [sflag:s4], $0x0  }
0x19: {  	s7 =	sld [smem:$0x3F99]  }
0x1a: {  	s8 =	sadd.s32 $0xFFFFE003, lr  }
0x1b: {  	s9 =	sadd.s32 $0xFFFFFEF7, lr;
	s5 =	simm.s32 $0xFFFFFFFF;
	p2 =	slt.u32 s8, $0xFFFFF086  }
0x1c: {  	p1 =	slt.u32 s9, $0xF7A;
	s5 =	simm.s32 @!p2 $0x0  }
0x1d: {  	s5 =	simm.s32 @p1 $0x1;
	p0 =	seq.s32 s7, s2  }
0x1e: {  	s7 =	smul.u32 @!p0 $0xF7A, s2;
	p2 =	seq.s32 @!p0 s5, $0x0  }
0x1f: {  	s9 =	smul.u32 $0xF7A, s1;
	s8 =	simm.s32 @!p0 $0x1BF5;
	p2 =	por !p2, p0  }
0x20: {  	[sflag:s8] =	ssyncset.s32 @!p0 $0xFFFFF086;
	s6 =	sadd.s32 @!p0 s3, s7;
	s7 =	simm.s32 @!p0 $0x108  }
0x21: {  	s3 =	sadd.s32 s3, s9;
	s6 =	sadd.s32 @!p0 $0x88, s6;
	s7 =	simm.s32 @p2 $0x1082  }
0x22: {  	[simem:s7], [sflag:s8] =	dma.local @!p0 [hbm:s6], $0xF7A  }
0x23: {  	s9 =	sor.u32 $0xD0000000, s2;
	s6 =	simm.s32 $0x108;
	_ =	swait.ge @!p0 [sflag:s8], $0x0  }
0x24: {  	s3 =	sadd.s32 $0x88, s3;
	s6 =	simm.s32 @!p1 $0x1082;
	[sflag:s4] =	ssyncset.s32 $0xFFFFF086  }
0x25: {  	[simem:s6], [sflag:s4] =	dma.local [hbm:s3], $0xF7A  }
0x26: {  	[smem:$0x3F99] =	sst s1;
	(tag) =	ssettag s2;
	_ =	strace s9  }
0x27: {  	s1 =	sld [smem:$0x3FA9]  }
0x28: {  	s2 =	sld [smem:$0x3FAA]  }
0x29: {  	s4 =	sld [smem:$0x3FAC]  }
0x2a: {  	p0 =	seq.s32 s5, $0x0;
	s5 =	sld [smem:$0x3FAD]  }
0x2b: {  	s6 =	sld [smem:$0x3FAE]  }
0x2c: {  	s7 =	sld [smem:$0x3FAF]  }
0x2d: {  	s3 =	simm.s32 $0x108;
	s8 =	sld [smem:$0x3FB0]  }
0x2e: {  	s3 =	simm.s32 @!p0 $0x1082;
	s9 =	sld [smem:$0x3FB1]  }
0x2f: {  	lr =	sadd.s32 s0, s3;
	s0 =	sld [smem:$0x3FA8]  }
0x30: {  	s3 =	sld [smem:$0x3FAB]  }
0x31: {  	[smem:$0x3FB4] =	sst s10  }
0x32: {  	s10 =	sld [smem:$0x3FB2];
	_ =	sdelay $0x3  }
0x33: {  	p0 =	seq.s32 s10, $0x1;
	s10 =	sld [smem:$0x3FB4];
	_ =	sdelay $0x3  }
0x34: {  	[smem:$0x3FB4] =	sst s10  }
0x35: {  	s10 =	sld [smem:$0x3FB3];
	_ =	sdelay $0x3  }
0x36: {  	p1 =	seq.s32 s10, $0x1;
	s10 =	sld [smem:$0x3FB4];
	_ =	sdelay $0x3  }
0x37: {  	[smem:$0x3FB4] =	sst s10  }
0x38: {  	s10 =	sld [smem:$0x3FB5]  }
0x39: {  	_ = 	snop;
	(pc) =	sbr.ind lr, $3  }
0x3a: {  	_ = 	snop  }
0x3b: {  	_ = 	snop  }
0x3c: {  	p2 =	seq.s32 s10, $0x1;
	s10 =	sld [smem:$0x3FB4]  }
0x3d: {  	_ =	shalt  }
0x3e: {  	_ =	shalt  }
0x3f: {  	_ =	shalt  }
0x40: {  	_ =	shalt  }
0x41: {  	_ =	shalt  }
0x42: {  	_ =	shalt  }
0x43: {  	_ =	shalt  }
0x44: {  	_ =	shalt  }
0x45: {  	_ =	shalt  }
0x46: {  	_ =	shalt  }
0x47: {  	_ =	shalt  }
0x48: {  	_ =	shalt  }
0x49: {  	_ =	shalt  }
0x4a: {  	_ =	shalt  }
0x4b: {  	_ =	shalt  }
0x4c: {  	_ =	shalt  }
0x4d: {  	_ =	shalt  }
0x4e: {  	_ =	shalt  }
0x4f: {  	_ =	shalt  }
0x50: {  	_ =	shalt  }
0x51: {  	_ =	shalt  }
0x52: {  	_ =	shalt  }
0x53: {  	_ =	shalt  }
0x54: {  	_ =	shalt  }
0x55: {  	_ =	shalt  }
0x56: {  	_ =	shalt  }
0x57: {  	_ =	shalt  }
0x58: {  	_ =	shalt  }
0x59: {  	_ =	shalt  }
0x5a: {  	_ =	shalt  }
0x5b: {  	_ =	shalt  }
0x5c: {  	_ =	shalt  }
0x5d: {  	_ =	shalt  }
0x5e: {  	_ =	shalt  }
0x5f: {  	_ =	shalt  }
0x60: {  	_ =	shalt  }
0x61: {  	_ =	shalt  }
0x62: {  	_ =	shalt  }
0x63: {  	_ =	shalt  }
0x64: {  	_ =	shalt  }
0x65: {  	_ =	shalt  }
0x66: {  	_ =	shalt  }
0x67: {  	_ =	shalt  }
0x68: {  	_ =	shalt  }
0x69: {  	_ =	shalt  }
0x6a: {  	_ =	shalt  }
0x6b: {  	_ =	shalt  }
0x6c: {  	_ =	shalt  }
0x6d: {  	_ =	shalt  }
0x6e: {  	_ =	shalt  }
0x6f: {  	_ =	shalt  }
0x70: {  	_ =	shalt  }
0x71: {  	_ =	shalt  }
0x72: {  	_ =	shalt  }
0x73: {  	_ =	shalt  }
0x74: {  	_ =	shalt  }
0x75: {  	_ =	shalt  }
0x76: {  	_ =	shalt  }
0x77: {  	_ =	shalt  }
0x78: {  	_ =	shalt  }
0x79: {  	_ =	shalt  }
0x7a: {  	_ =	shalt  }
0x7b: {  	_ =	shalt  }
0x7c: {  	_ =	shalt  }
0x7d: {  	_ =	shalt  }
0x7e: {  	_ =	shalt  }
0x7f: {  	_ =	shalt  }
0x80: {  	_ =	shalt  }
0x81: {  	_ =	shalt  }
0x82: {  	_ =	shalt  }
0x83: {  	_ =	shalt  }
0x84: {  	_ =	shalt  }
0x85: {  	_ =	shalt  }
0x86: {  	_ =	shalt  }
0x87: {  	_ =	shalt  }
.Lfunc_end0:
.L_simem_size_0:
called_computation.1_lowered:
.L_overlay_start_0:
0x88: {  	s2 =	sld [smem:$0x3FD9]  }
0x89: {  	s3 =	sld [smem:$0x3FFE];
	_ =	sdelay $0x1  }
0x8a: {  	s1 =	srdreg.scid  }
0x8b: {  	s0 =	sand.u32 $0x1, s1  }
0x8c: {  	s14 =	sshll.u32 s0, $0xA;
	s2 =	sadd.s32 s3, s2  }
0x8d: {  	s2 =	sadd.s32 s2, s14  }
0x8e: {  	[smem:$0x3FC0] =	sst s2  }
0x8f: {  	_ = 	snop  }
0x90: {  	s2 =	sld [smem:$0x3FD0];
	_ =	sdelay $0x2  }
0x91: {  	s15 =	simm.s32 $0xA;
	s4 =	simm.s32 $0x10  }
0x92: {  	[smem:s4], [sflag:s15] =	dma.local [hbm:s2], $0x1  }
0x93: {  	_ =	swait.eq [sflag:s15], $0x1  }
0x94: {  	[sflag:s15] =	ssyncset.done $0x0  }
0x95: {  	[sflag:s15] =	ssyncadd.s32 $0xFFFFFFFF  }
0x96: {  	s16 =	sld [smem:$0x10];
	(tm) =	ssettm $0x1  }
0x97: {  	s17 =	sld [smem:$0x3FFB];
	_ =	sdelay $0x3  }
0x98: {  	_ =	strace s17  }
0x99: {  	s3 =	sld [smem:$0x3FFC];
	_ =	sdelay $0x3  }
0x9a: {  	_ =	strace s3  }
0x9b: {  	s3 =	sld [smem:$0x3FFD];
	_ =	sdelay $0x3  }
0x9c: {  	_ =	strace s3  }
0x9d: {  	_ =	strace $0x8FFFFFFF  }
0x9e: {  	s18 =	sld [smem:$0x3FDB];
	_ =	sdelay $0x1  }
0x9f: {  	s19 =	simm.s32 $_scs_section_size  }
0xa0: {  	s5 =	simm.s32 $_size__tile_overlayer_lowered;
	s6 =	simm.s32 $_tile_overlayer_lowered  }
0xa1: {  	s22 =	simm.s32 $0x1BFF;
	s21 =	sshll.u32 s6, $0x1;
	s3 =	sadd.s32 s19, s18  }
0xa2: {  	s7 =	simm.s32 $0x0;
	s20 =	sshll.u32 s5, $0x1;
	s5 =	sadd.s32 s21, s3  }
0xa3: {  	[timem:s7], [sflag:s22] =	dma.local [hbm:s5], s20  }
0xa4: {  	_ =	swait.ge [sflag:s22], s20  }
0xa5: {  	s4 =	ssub.s32 $0x0, s20;
	[sflag:s22] =	ssyncset.done $0x0  }
0xa6: {  	[sflag:s22] =	ssyncadd.s32 s4;
	_ =	sdelay $0x1  }
0xa7: {  	s23 =	simm.s32 $0x1B8B  }
0xa8: {  	_ =	swait.ge [sflag:s23], $0x1  }
0xa9: {  	[sflag:s23] =	ssyncset.done $0x0  }
0xaa: {  	s25 =	simm.s32 $0x1B8E;
	s24 =	sld [smem:$0x3FFE];
	[sflag:s23] =	ssyncadd.s32 $0xFFFFFFFF  }
0xab: {  	s26 =	simm.s32 $execute0_lowered;
	[smem:$0x3FD2] =	sst s25  }
0xac: {  	s5 =	sshll.u32 s26, $0x1;
	_ =	strace $0x80000049;
	[dreg:$0x1] =	wrdreg $0xFFFFFFFF  }
0xad: {  	s28 =	simm.s32 $_size_execute0_lowered;
	s3 =	sadd.s32 s3, s5;
	[dreg:$0x0] =	wrdreg $0x0  }
0xae: {  	s5 =	sshll.u32 s28, $0x1;
	[dreg:$0x2] =	wrdreg s3  }
0xaf: {  	[dreg:$0x3] =	wrdreg s5  }
0xb0: {  	[dreg:$0x4] =	wrdreg $0xC0  }
0xb1: {  	_ =	task [dreg:s7], $0x5FFFF  }
0xb2: {  	[dreg:$0x1] =	wrdreg $0xFFFFFFFF  }
0xb3: {  	[dreg:$0x0] =	wrdreg $0x60  }
0xb4: {  	[dreg:$0x2] =	wrdreg s24  }
0xb5: {  	[dreg:$0x3] =	wrdreg s16  }
0xb6: {  	[dreg:$0x4] =	wrdreg $0x9  }
0xb7: {  	_ =	task.clear_ibuf [dreg:s7], $0x5FFFF;
	_ =	strace $0x90000049  }
0xb8: {  	s29 =	simm.s32 $0x9;
	_ =	strace $0x8000004B  }
0xb9: {  	_ =	swait.ge [sflag:s29], $0x1  }
0xba: {  	[sflag:s29] =	ssyncadd.s32 $0xFFFFFFFF  }
0xbb: {  	_ =	strace $0x9000004B  }
0xbc: {  	_ =	sfence  }
0xbd: {  	s30 =	sld [smem:$0x0];
	_ =	sdelay $0x2  }
0xbe: {  	s31 =	sshll.u32 s1, $0xD;
	s1 =	sshrl.u32 s1, $0x2  }
0xbf: {  	s3 =	sand.u32 $0x4000, s31;
	s1 =	sadd.s32 s1, s30  }
0xc0: {  	s0 =	sor.u32 s3, s0;
	s1 =	sshll.u32 s1, $0x11  }
0xc1: {  	s0 =	sor.u32 s1, s0  }
0xc2: {  	s0 =	sadd.s32 $0x8F2B, s0  }
0xc3: {  	[sflag:s0] =	ssyncadd.remote.s32 $0x1  }
0xc4: {  	_ =	sfence.sel $0xFFFF  }
0xc5: {  	[dreg:$0x0] =	wrdreg $0xFFFFFFFF;
	(pc) =	sbr.abs _section_cstart, $3  }
0xc6: {  	[dreg:$0x1] =	wrdreg $0xFFFFFFFF  }
0xc7: {  	_ =	task.clear_ibuf [dreg:s7], $0x2FFFF;
	_ =	strace $0x9FFFFFFF  }
0xc8: {  	(tm) =	ssettm $0x7FFFFFFF  }
0xc9: {  	_ =	shalt  }
tec
execute0_lowered:
.L_overlay_start_1:
0x0: {  	(tag) =	ssettag $0x1  }
0x1: {  	s0 =	rddreg [dreg:$0x0]  }
0x2: {  	s6 =	rddreg [dreg:$0x1];
	s1 =	simm.s32 $0x0  }
0x3: {  	s2 =	srdreg.scid;
	s19 =	stileid.u32;
	s24 =	simm.s32 $0x900  }
0x4: {  	s25 =	simm.s32 $0x1100;
	s26 =	simm.s32 $0x1900;
	s11 =	simm.s32 $0x3100  }
0x5: {  	s12 =	simm.s32 $0x3900;
	s13 =	simm.s32 $0x4100;
	s14 =	simm.s32 $0x4900  }
0x6: {  	s15 =	simm.s32 $0x5100;
	s16 =	simm.s32 $0x5900;
	s17 =	simm.s32 $0x80  }
0x7: {  	s18 =	simm.s32 $0x6100;
	s28 =	simm.s32 $0xA900;
	s29 =	simm.s32 $0xB100  }
0x8: {  	s30 =	simm.s32 $0xB900;
	s31 =	simm.s32 $0x1;
	[smem:$0x7FF] =	sst s1  }
0x9: {  	s4 =	sand.u32 $0x1, s2;
	s3 =	sadd.s32 $0x32A00, s0;
	s8 =	sshll.u32 s19, $0x4  }
0xa: {  	s9 =	sadd.s32 $0x1000, s0;
	_ =	strace $0x8000004A;
	[dreg:$0x7] =	wrdreg s24  }
0xb: {  	s19 =	simm.s32 $0x6900;
	s5 =	ssub.s32 $0x2, s4;
	[dreg:$0x8] =	wrdreg s25  }
0xc: {  	s4 =	sshll.u32 s4, $0x3;
	[dreg:$0x9] =	wrdreg s26;
	s24 =	simm.s32 $0x9100  }
0xd: {  	s25 =	simm.s32 $0x9900;
	s7 =	sshrl.u32 s5, $0x1;
	s4 =	sor.u32 s4, s8  }
0xe: {  	s26 =	simm.s32 $0xA100;
	s7 =	ssub.s32 s5, s7;
	s20 =	sadd.s32 s9, s4  }
0xf: {  	s8 =	sor.u32 $0x4, s4;
	s10 =	smul.u32 $0x300, s4;
	s4 =	sadd.s32 $0x32B00, s0  }
0x10: {  	s5 =	sadd.s32 $0x32C00, s0;
	s0 =	simm.s32 $0x2;
	[dreg:$0x3] =	wrdreg s20  }
0x11: {  	s21 =	sadd.s32 s9, s8;
	s8 =	smul.u32 $0x300, s8;
	s20 =	simm.s32 $0x7100  }
0x12: {  	[dreg:$0x4] =	wrdreg s21;
	s22 =	sadd.s32 s6, s10;
	s10 =	simm.s32 $0x2900  }
0x13: {  	v2 =	vlaneseq.u32;
	s21 =	simm.s32 $0x7900;
	[dreg:$0x5] =	wrdreg s22;
	s23 =	sadd.s32 s6, s8  }
0x14: {  	vm0 =	vmmov $0xffff;
	v1 =	vshrl.u32 v2, $0x3;
	s6 =	smax.u32 s7, $0x1;
	s7 =	simm.s32 $0x3;
	s8 =	simm.s32 $0x100  }
0x15: {  	v0 =	vand.u32 $0x7, v2;
	v2 =	vor.u32 $0x8, v2;
	v1 =	vmul.u32 $0x8, v1;
	s22 =	simm.s32 $0x8100;
	[dreg:$0x6] =	wrdreg s23;
	s23 =	simm.s32 $0x8900  }
.LBB2_1:
0x16: {  	s2 =	rddreg [dreg:$0x3]  }
0x17: {  	[tilespmem:s1], [sflag:$0x3] =	stream.linear.gather [hbm4b:s2+s1], $0x20, $0x38;
	[tilespmem:$0xC100] =	vst v63  }
0x18: {  	_ =	swait.ge [sflag:s7], $0x20  }
0x19: {  	[sflag:s7] =	ssyncset.done $0x0  }
0x1a: {  	[sflag:s7] =	ssyncadd.s32 $0xFFFFFFE0  }
0x1b: {  	v3 =	vld [tilespmem:$0x0];
	_ =	sdelay $0x4  }
0x1c: {  	v4 =	vshrl.u32 v3, $0x3  }
0x1d: {  	v4 =	vmul.u32 $0x30, v4  }
0x1e: {  	v3 =	vand.u32 $0x7, v3  }
0x1f: {  	v3 =	vor.u32 v3, v4  }
0x20: {  	v4 =	vperm.xlane v3, v0;
	_ =	sdelay $0x1  }
0x21: {  	v4 =	vadd.s32 v1, v4;
	_ =	sdelay $0x3  }
0x22: {  	v3 =	vperm.xlane v3, v2  }
0x23: {  	[tilespmem:s8], [sflag:$0x1] =	stream.indirect_vreg.gather [hbm4b:s3+s1], $0x80, v4, vm0, $0xb8;
	[tilespmem:$0xC100] =	vst v63  }
0x24: {  	s2 =	rddreg [dreg:$0x7];
	v3 =	vadd.s32 v1, v3  }
0x25: {  	[tilespmem:s2], [sflag:$0x1] =	stream.indirect_vreg.gather [hbm4b:s4+s1], $0x80, v4, vm0, $0xb8;
	[tilespmem:$0xC100] =	vst v63  }
0x26: {  	s9 =	rddreg [dreg:$0x8]  }
0x27: {  	[tilespmem:s9], [sflag:$0x1] =	stream.indirect_vreg.gather [hbm4b:s5+s1], $0x80, v4, vm0, $0xb8;
	[tilespmem:$0xC100] =	vst v63  }
0x28: {  	s2 =	rddreg [dreg:$0x9]  }
0x29: {  	[tilespmem:s2], [sflag:$0x1] =	stream.indirect_vreg.gather [hbm4b:s3+s1], $0x80, v3, vm0, $0xb8;
	[tilespmem:$0xC100] =	vst v63  }
0x2a: {  	s9 =	simm.s32 $0x2100  }
0x2b: {  	[tilespmem:s9], [sflag:$0x1] =	stream.indirect_vreg.gather [hbm4b:s4+s1], $0x80, v3, vm0, $0xb8;
	[tilespmem:$0xC100] =	vst v63  }
0x2c: {  	_ = 	snop  }
0x2d: {  	[tilespmem:s10], [sflag:$0x1] =	stream.indirect_vreg.gather [hbm4b:s5+s1], $0x80, v3, vm0, $0xb8;
	[tilespmem:$0xC100] =	vst v63  }
0x2e: {  	v3 =	vld [tilespmem:$0x10];
	_ =	sdelay $0x4  }
0x2f: {  	v61 =	vshrl.u32 v3, $0x3  }
0x30: {  	v4 =	vmul.u32 $0x30, v61  }
0x31: {  	v3 =	vand.u32 $0x7, v3  }
0x32: {  	v3 =	vor.u32 v3, v4  }
0x33: {  	v4 =	vperm.xlane v3, v0;
	_ =	sdelay $0x1  }
0x34: {  	v4 =	vadd.s32 v1, v4;
	_ =	sdelay $0x3  }
0x35: {  	v3 =	vperm.xlane v3, v2  }
0x36: {  	[tilespmem:s11], [sflag:$0x1] =	stream.indirect_vreg.gather [hbm4b:s3+s1], $0x80, v4, vm0, $0xb8;
	[tilespmem:$0xC100] =	vst v63  }
0x37: {  	v3 =	vadd.s32 v1, v3  }
0x38: {  	[tilespmem:s12], [sflag:$0x1] =	stream.indirect_vreg.gather [hbm4b:s4+s1], $0x80, v4, vm0, $0xb8;
	[tilespmem:$0xC100] =	vst v63  }
0x39: {  	_ = 	snop  }
0x3a: {  	[tilespmem:s13], [sflag:$0x1] =	stream.indirect_vreg.gather [hbm4b:s5+s1], $0x80, v4, vm0, $0xb8;
	[tilespmem:$0xC100] =	vst v63  }
0x3b: {  	_ = 	snop  }
0x3c: {  	[tilespmem:s14], [sflag:$0x1] =	stream.indirect_vreg.gather [hbm4b:s3+s1], $0x80, v3, vm0, $0xb8;
	[tilespmem:$0xC100] =	vst v63  }
0x3d: {  	_ = 	snop  }
0x3e: {  	[tilespmem:s15], [sflag:$0x1] =	stream.indirect_vreg.gather [hbm4b:s4+s1], $0x80, v3, vm0, $0xb8;
	[tilespmem:$0xC100] =	vst v63  }
0x3f: {  	_ = 	snop  }
0x40: {  	[tilespmem:s16], [sflag:$0x1] =	stream.indirect_vreg.gather [hbm4b:s5+s1], $0x80, v3, vm0, $0xb8;
	[tilespmem:$0xC100] =	vst v63  }
0x41: {  	s9 =	rddreg [dreg:$0x4]  }
0x42: {  	[tilespmem:s17], [sflag:$0x3] =	stream.linear.gather [hbm4b:s9+s1], $0x20, $0x38;
	[tilespmem:$0xC100] =	vst v63  }
0x43: {  	_ =	swait.ge [sflag:s7], $0x20  }
0x44: {  	[sflag:s7] =	ssyncset.done $0x0  }
0x45: {  	[sflag:s7] =	ssyncadd.s32 $0xFFFFFFE0  }
0x46: {  	v3 =	vld [tilespmem:$0x80];
	_ =	sdelay $0x4  }
0x47: {  	v62 =	vshrl.u32 v3, $0x3  }
0x48: {  	v4 =	vmul.u32 $0x30, v62  }
0x49: {  	v3 =	vand.u32 $0x7, v3  }
0x4a: {  	v3 =	vor.u32 v3, v4  }
0x4b: {  	v4 =	vperm.xlane v3, v0;
	_ =	sdelay $0x1  }
0x4c: {  	v4 =	vadd.s32 v1, v4;
	_ =	sdelay $0x3  }
0x4d: {  	v3 =	vperm.xlane v3, v2  }
0x4e: {  	[tilespmem:s18], [sflag:$0x2] =	stream.indirect_vreg.gather [hbm4b:s3+s1], $0x80, v4, vm0, $0xb8;
	[tilespmem:$0xC100] =	vst v63  }
0x4f: {  	v3 =	vadd.s32 v1, v3  }
0x50: {  	[tilespmem:s19], [sflag:$0x2] =	stream.indirect_vreg.gather [hbm4b:s4+s1], $0x80, v4, vm0, $0xb8;
	[tilespmem:$0xC100] =	vst v63  }
0x51: {  	_ = 	snop  }
0x52: {  	[tilespmem:s20], [sflag:$0x2] =	stream.indirect_vreg.gather [hbm4b:s5+s1], $0x80, v4, vm0, $0xb8;
	[tilespmem:$0xC100] =	vst v63  }
0x53: {  	_ = 	snop  }
0x54: {  	[tilespmem:s21], [sflag:$0x2] =	stream.indirect_vreg.gather [hbm4b:s3+s1], $0x80, v3, vm0, $0xb8;
	[tilespmem:$0xC100] =	vst v63  }
0x55: {  	_ = 	snop  }
0x56: {  	[tilespmem:s22], [sflag:$0x2] =	stream.indirect_vreg.gather [hbm4b:s4+s1], $0x80, v3, vm0, $0xb8;
	[tilespmem:$0xC100] =	vst v63  }
0x57: {  	_ = 	snop  }
0x58: {  	[tilespmem:s23], [sflag:$0x2] =	stream.indirect_vreg.gather [hbm4b:s5+s1], $0x80, v3, vm0, $0xb8;
	[tilespmem:$0xC100] =	vst v63  }
0x59: {  	v3 =	vld [tilespmem:$0x90];
	_ =	sdelay $0x4  }
0x5a: {  	v63 =	vshrl.u32 v3, $0x3  }
0x5b: {  	v4 =	vmul.u32 $0x30, v63  }
0x5c: {  	v3 =	vand.u32 $0x7, v3  }
0x5d: {  	v3 =	vor.u32 v3, v4  }
0x5e: {  	v4 =	vperm.xlane v3, v0;
	_ =	sdelay $0x1  }
0x5f: {  	v4 =	vadd.s32 v1, v4;
	_ =	sdelay $0x3  }
0x60: {  	v3 =	vperm.xlane v3, v2  }
0x61: {  	[tilespmem:s24], [sflag:$0x2] =	stream.indirect_vreg.gather [hbm4b:s3+s1], $0x80, v4, vm0, $0xb8;
	[tilespmem:$0xC100] =	vst v63  }
0x62: {  	v3 =	vadd.s32 v1, v3  }
0x63: {  	[tilespmem:s25], [sflag:$0x2] =	stream.indirect_vreg.gather [hbm4b:s4+s1], $0x80, v4, vm0, $0xb8;
	[tilespmem:$0xC100] =	vst v63  }
0x64: {  	_ = 	snop  }
0x65: {  	[tilespmem:s26], [sflag:$0x2] =	stream.indirect_vreg.gather [hbm4b:s5+s1], $0x80, v4, vm0, $0xb8;
	[tilespmem:$0xC100] =	vst v63  }
0x66: {  	_ = 	snop  }
0x67: {  	[tilespmem:s28], [sflag:$0x2] =	stream.indirect_vreg.gather [hbm4b:s3+s1], $0x80, v3, vm0, $0xb8;
	[tilespmem:$0xC100] =	vst v63  }
0x68: {  	_ = 	snop  }
0x69: {  	[tilespmem:s29], [sflag:$0x2] =	stream.indirect_vreg.gather [hbm4b:s4+s1], $0x80, v3, vm0, $0xb8;
	[tilespmem:$0xC100] =	vst v63  }
0x6a: {  	_ = 	snop  }
0x6b: {  	[tilespmem:s30], [sflag:$0x2] =	stream.indirect_vreg.gather [hbm4b:s5+s1], $0x80, v3, vm0, $0xb8;
	[tilespmem:$0xC100] =	vst v63  }
0x6c: {  	_ =	swait.ge [sflag:s31], $0x6000  }
0x6d: {  	[sflag:s31] =	ssyncset.done $0x0  }
0x6e: {  	s9 =	rddreg [dreg:$0x5];
	[sflag:s31] =	ssyncadd.s32 $0xFFFFA000  }
0x6f: {  	[hbm4b:s9+s1] =	stream.linear.scatter [tilespmem:s8], [sflag:$0x1], $0x6000, $0x38;
	[tilespmem:$0xC100] =	vst v63  }
0x70: {  	_ =	swait.ge [sflag:s0], $0x6000  }
0x71: {  	[sflag:s0] =	ssyncset.done $0x0  }
0x72: {  	s9 =	rddreg [dreg:$0x6];
	[sflag:s0] =	ssyncadd.s32 $0xFFFFA000  }
0x73: {  	[hbm4b:s9+s1] =	stream.linear.scatter [tilespmem:s18], [sflag:$0x2], $0x6000, $0x38;
	[tilespmem:$0xC100] =	vst v63  }
0x74: {  	p0 =	sne.s32 s6, $0x1;
	_ =	swait.ge [sflag:s31], $0x6000  }
.Ltmp0:
0x75: {  	[sflag:s31] =	ssyncset.done $0x0;
	(pc) =	sbr.rel @p0 .LBB2_1-.Ltmp0, $4  }
0x76: {  	[sflag:s31] =	ssyncadd.s32 $0xFFFFA000  }
0x77: {  	_ =	swait.ge [sflag:s0], $0x6000  }
0x78: {  	[sflag:s0] =	ssyncset.done $0x0  }
0x79: {  	s6 =	sadd.s32 $0xFFFFFFFF, s6;
	[sflag:s0] =	ssyncadd.s32 $0xFFFFA000  }
0x7a: {  	_ =	sfence.sel $0x180000  }
0x7b: {  	[bflag:$0x0] =	sbarrier.arrive $0xFFFF  }
0x7c: {  	_ =	strace $0x9000004A  }
0x7d: {  	s0 =	stileid.u32;
	[bflag:$0x2] =	sbarrier.arrive $0xFFFF  }
0x7e: {  	p0 =	sne.s32 s0, $0x0;
	s0 =	rddreg [dreg:$0x2]  }
0x7f: {  	s0 =	sadd.s32 @!p0 $0x100000, s0  }
0x80: {  	[sflag:s0] =	ssyncadd.tile.s32 @!p0 $0x1;
	_ =	shalt  }
.Lfunc_end2:
_tile_overlayer_lowered:
.L_overlay_start_2:
0x81: {  	(tag) =	ssettag $0x2  }
0x82: {  	s0 =	rddreg [dreg:$0x0];
	s2 =	stileid.u32  }
0x83: {  	s1 =	rddreg [dreg:$0x1];
	p0 =	sne.s32 s2, $0x0  }
0x84: {  	s3 =	rddreg [dreg:$0x2];
	[bflag:$0x3] =	sbarrier.arrive $0xFFFF;
	s2 =	simm.s32 @!p0 $0x1C03  }
0x85: {  	[timem:s3], [sflag:s2] =	dma.local @!p0 [hbm:s0], s1  }
0x86: {  	s0 =	simm.s32 @!p0 $0x3  }
0x87: {  	_ =	swait.ge @!p0 [sflag:s0], s1  }
0x88: {  	s1 =	ssub.s32 @!p0 $0x0, s1;
	[sflag:s0] =	ssyncset.done @!p0 $0x0  }
0x89: {  	[sflag:s0] =	ssyncadd.s32 @!p0 s1  }
0x8a: {  	[bflag:$0x3] =	sbarrier.arrive $0xFFFF  }
0x8b: {  	_ =	shalt  }

</sc_bundles>
